<compile_context>
chip_gen: v7x
topology: tpu7x:2x2x1
jax: 0.10.2.dev20260603
libtpu: 0.0.44.dev20260713+nightly
codegen_flags: <defaults>
</compile_context>

<pallas_src>
import jax
import jax.numpy as jnp
from jax import lax
from jax.experimental import pallas as pl
from jax.experimental.pallas import tpu as pltpu
from jax.experimental.pallas import tpu_sc as plsc

N_BUCKETS = 32
N_HEAD = 16
Q_LEN = 2048
K_LEN = 2048

BQ = 1024
DIAG_N = 4096
D8_W = 4224
D128_W = 4096

_THRESHOLDS = (11, 15, 21, 30, 44, 62, 90, 128)
_HALF_DIAG = DIAG_N // 2


def _sc_diag_kernel(wt_hbm, delta_hbm, out_hbm, w_v, d_v, row_v):
    h = lax.axis_index("s")
    half = lax.axis_index("c")
    pltpu.sync_copy(wt_hbm.at[h], w_v)
    pltpu.sync_copy(delta_hbm, d_v)
    dvec = d_v[...]
    w_lo = w_v[pl.ds(0, 16)]
    w_hi = w_v[pl.ds(16, 16)]
    base = half * _HALF_DIAG

    def body(i, carry):
        for u in range(4):
            t = base + i * 64 + u * 16 + lax.broadcasted_iota(jnp.int32, (16,), 0)
            rel = t - (Q_LEN - 1) + dvec
            a = jnp.abs(rel)
            b = jnp.minimum(a, 7)
            for thr in _THRESHOLDS:
                b = b + jnp.where(a >= thr, 1, 0)
            lo = w_lo.at[b].get(mode="promise_in_bounds")
            hi = w_hi.at[b].get(mode="promise_in_bounds")
            row_v[pl.ds(i * 64 + u * 16, 16)] = jnp.where(rel > 0, hi, lo)
        return carry

    lax.fori_loop(0, _HALF_DIAG // 64, body, 0)
    pltpu.sync_copy(row_v, out_hbm.at[h, pl.ds(base, _HALF_DIAG)])


def _tc_expand_kernel(diag_ref, out_ref, d8_ref, d128_ref):
    qb = pl.program_id(1)

    @pl.when(qb == 0)
    def _build_tables():
        row = diag_ref[0, 0, :].reshape(1, DIAG_N)
        for i in range(8):
            d8_ref[pl.ds(i, 1), pl.ds(i, DIAG_N)] = row
        for m in range(16):
            d128_ref[pl.ds(8 * m, 8), :] = d8_ref[:, pl.ds(127 - 8 * m, D128_W)]

    q0 = qb * BQ
    for p in range(BQ // 128):
        s = (Q_LEN - 128) - q0 - 128 * p
        out_ref[0, 0, pl.ds(128 * p, 128), :] = d128_ref[:, pl.ds(s, K_LEN)]


def kernel(relative_bias_weight, query_length, key_length):
    delta = (
        jnp.asarray(key_length, jnp.int32) - K_LEN
        - (jnp.asarray(query_length, jnp.int32) - Q_LEN)
    )
    wt = relative_bias_weight.T
    delta_vec = jnp.full((16,), delta, jnp.int32)

    diag = pl.kernel(
        _sc_diag_kernel,
        out_type=jax.ShapeDtypeStruct((N_HEAD, DIAG_N), jnp.float32),
        mesh=plsc.VectorSubcoreMesh(core_axis_name="c", subcore_axis_name="s"),
        scratch_types=[
            pltpu.VMEM((N_BUCKETS,), jnp.float32),
            pltpu.VMEM((16,), jnp.int32),
            pltpu.VMEM((_HALF_DIAG,), jnp.float32),
        ],
    )(wt, delta_vec)

    out = pl.pallas_call(
        _tc_expand_kernel,
        grid=(N_HEAD, Q_LEN // BQ),
        in_specs=[
            pl.BlockSpec((1, 1, DIAG_N), lambda h, qb: (h, 0, 0)),
        ],
        out_specs=pl.BlockSpec((1, 1, BQ, K_LEN), lambda h, qb: (0, h, qb, 0)),
        out_shape=jax.ShapeDtypeStruct((1, N_HEAD, Q_LEN, K_LEN), jnp.float32),
        scratch_shapes=[
            pltpu.VMEM((8, D8_W), jnp.float32),
            pltpu.VMEM((128, D128_W), jnp.float32),
        ],
        compiler_params=pltpu.CompilerParams(
            dimension_semantics=("parallel", "arbitrary"),
        ),
    )(diag.reshape(N_HEAD, 1, DIAG_N))
    return out

# --- scband reference (transcript-rebuilt; emitter-appended) ---
"""Pipeline reference for scband-relative-position-bias-70446053589521 (READ-ONLY COPY).

The authoritative reference and input builder live on the scoring server;
editing this copy changes nothing except your own understanding.
"""

import math
import jax, jax.numpy as jnp
import numpy as np

N_BUCKETS = 32
MAX_DISTANCE = 128
N_HEAD = 16
BIDIRECTIONAL = True
QUERY_LENGTH = 2048
KEY_LENGTH = 2048


def _relative_position_bucket(relative_position, bidirectional=True, n_buckets=32, max_distance=128):
    relative_buckets = jnp.zeros_like(relative_position)
    if bidirectional:
        n_buckets = n_buckets // 2
        relative_buckets = relative_buckets + (relative_position > 0).astype(jnp.int32) * n_buckets
        relative_position = jnp.abs(relative_position)
    else:
        relative_position = -jnp.minimum(relative_position, jnp.zeros_like(relative_position))
    max_exact = n_buckets // 2
    is_small = relative_position < max_exact
    max_exact -= 1
    n_buckets -= 1
    # safe_rp only differs from relative_position where is_small is True (rp==0),
    # and those lanes are discarded by the jnp.where below, so math stays faithful.
    safe_rp = jnp.maximum(relative_position.astype(jnp.float32), 1.0)
    rp_if_large = max_exact + (
        jnp.log(safe_rp / max_exact) / math.log(max_distance / max_exact) * (n_buckets - max_exact)
    ).astype(jnp.int32)
    rp_if_large = jnp.minimum(rp_if_large, jnp.full_like(rp_if_large, n_buckets))
    relative_buckets = relative_buckets + jnp.where(is_small, relative_position, rp_if_large)
    return relative_buckets


def setup_inputs(seed: int = 0) -> dict:
    key = jax.random.key(seed)
    relative_bias_weight = jax.random.normal(key, (N_BUCKETS, N_HEAD), dtype=jnp.float32)
    return {
        "relative_bias_weight": relative_bias_weight,
        "query_length": 2048,
        "key_length": 2048,
    }


def reference(relative_bias_weight, query_length, key_length):
    query_offset = jnp.asarray(query_length, dtype=jnp.int32) - QUERY_LENGTH
    key_offset = jnp.asarray(key_length, dtype=jnp.int32) - KEY_LENGTH
    context_position = (jnp.arange(QUERY_LENGTH, dtype=jnp.int32) + query_offset)[:, None]
    memory_position = (jnp.arange(KEY_LENGTH, dtype=jnp.int32) + key_offset)[None, :]
    relative_position = memory_position - context_position
    relative_position_bucket = _relative_position_bucket(
        relative_position,
        bidirectional=BIDIRECTIONAL,
        n_buckets=N_BUCKETS,
        max_distance=MAX_DISTANCE,
    )
    values = jnp.take(relative_bias_weight, relative_position_bucket, axis=0)  # [q, k, n_head]
    values = jnp.transpose(values, (2, 0, 1))[None]  # [1, n_head, q, k]
    return values

if __name__ == "__main__":
    import jax
    _d = setup_inputs()
    print(jax.jit(kernel)(*tuple(_d.values())))

</pallas_src>

<mosaic_0001>
#map = affine_map<(d0, d1) -> (0, 0)>
#map1 = affine_map<(d0, d1) -> (0)>
module attributes {stable_mosaic.version = 14 : i64} {
  func.func @_sc_diag_kernel(%arg0: i32, %arg1: i32, %arg2: memref<16x32xf32, #tpu.memory_space<hbm>>, %arg3: memref<16xi32, #tpu.memory_space<hbm>>, %arg4: memref<16x4096xf32, #tpu.memory_space<hbm>>, %arg5: memref<32xf32, #tpu.memory_space<vmem>>, %arg6: memref<16xi32, #tpu.memory_space<vmem>>, %arg7: memref<2048xf32, #tpu.memory_space<vmem>>) attributes {dimension_semantics = [#tpu.dimension_semantics<core_parallel>, #tpu.dimension_semantics<subcore_parallel>], iteration_bounds = array<i64: 2, 16>, scalar_prefetch = 0 : i64, scratch_operands = 3 : i64, tpu.core_type = #tpu.core_type<sc_vector_subcore>, window_params = [{transform_indices = #map}, {transform_indices = #map1}, {transform_indices = #map}]} {
    "tpu.region"() ({
      %run_scoped3A = tpu.sem_alloc : memref<!tpu.dma_semaphore, #tpu.memory_space<semaphore_mem>>
      %dma_start3A = arith.constant 0 : i32
      %dma_start3A_14 = tpu.memref_slice %arg2[%arg1, %dma_start3A] : memref<16x32xf32, #tpu.memory_space<hbm>> -> memref<1x32xf32, #tpu.memory_space<hbm>>
      %dma_start3A_15 = tpu.memref_squeeze %dma_start3A_14 : memref<1x32xf32, #tpu.memory_space<hbm>> -> memref<32xf32, #tpu.memory_space<hbm>>
      %dma_start3A_16 = arith.constant 0 : i32
      %dma_start3A_17 = tpu.memref_slice %arg2[%arg1, %dma_start3A_16] : memref<16x32xf32, #tpu.memory_space<hbm>> -> memref<1x32xf32, #tpu.memory_space<hbm>>
      %dma_start3A_18 = tpu.memref_squeeze %dma_start3A_17 : memref<1x32xf32, #tpu.memory_space<hbm>> -> memref<32xf32, #tpu.memory_space<hbm>>
      tpu.enqueue_dma source(%dma_start3A_18 : memref<32xf32, #tpu.memory_space<hbm>>) target(%arg5 : memref<32xf32, #tpu.memory_space<vmem>>) target_semaphore(%run_scoped3A : memref<!tpu.dma_semaphore, #tpu.memory_space<semaphore_mem>>)
      %dma_wait3A = arith.constant 0 : i32
      %dma_wait3A_19 = tpu.memref_slice %arg2[%arg1, %dma_wait3A] : memref<16x32xf32, #tpu.memory_space<hbm>> -> memref<1x32xf32, #tpu.memory_space<hbm>>
      %dma_wait3A_20 = tpu.memref_squeeze %dma_wait3A_19 : memref<1x32xf32, #tpu.memory_space<hbm>> -> memref<32xf32, #tpu.memory_space<hbm>>
      %dma_wait3A_21 = arith.constant 0 : i32
      %dma_wait3A_22 = tpu.memref_slice %arg2[%arg1, %dma_wait3A_21] : memref<16x32xf32, #tpu.memory_space<hbm>> -> memref<1x32xf32, #tpu.memory_space<hbm>>
      %dma_wait3A_23 = tpu.memref_squeeze %dma_wait3A_22 : memref<1x32xf32, #tpu.memory_space<hbm>> -> memref<32xf32, #tpu.memory_space<hbm>>
      tpu.wait_dma2 semaphore(%run_scoped3A : memref<!tpu.dma_semaphore, #tpu.memory_space<semaphore_mem>>) src(%dma_wait3A_23 : memref<32xf32, #tpu.memory_space<hbm>>) dst(%arg5 : memref<32xf32, #tpu.memory_space<vmem>>)
      tpu.yield
    }) : () -> ()
    "tpu.region"() ({
      %run_scoped3A = tpu.sem_alloc : memref<!tpu.dma_semaphore, #tpu.memory_space<semaphore_mem>>
      tpu.enqueue_dma source(%arg3 : memref<16xi32, #tpu.memory_space<hbm>>) target(%arg6 : memref<16xi32, #tpu.memory_space<vmem>>) target_semaphore(%run_scoped3A : memref<!tpu.dma_semaphore, #tpu.memory_space<semaphore_mem>>)
      tpu.wait_dma2 semaphore(%run_scoped3A : memref<!tpu.dma_semaphore, #tpu.memory_space<semaphore_mem>>) src(%arg3 : memref<16xi32, #tpu.memory_space<hbm>>) dst(%arg6 : memref<16xi32, #tpu.memory_space<vmem>>)
      tpu.yield
    }) : () -> ()
    %get3A = arith.constant 0 : index
    %get3A_0 = tpu.vector_load %arg6[%get3A] {strides = array<i32>} : memref<16xi32, #tpu.memory_space<vmem>>, vector<16xi32>,
    %get3A_1 = vector.shape_cast %get3A_0 : vector<16xi32> to vector<16xi32>
    %get3A_2 = arith.constant 0 : index
    %get3A_3 = tpu.vector_load %arg5[%get3A_2] {strides = array<i32>} : memref<32xf32, #tpu.memory_space<vmem>>, vector<16xf32>,
    %get3A_4 = vector.shape_cast %get3A_3 : vector<16xf32> to vector<16xf32>
    %get3A_5 = arith.constant 16 : index
    %get3A_6 = tpu.vector_load %arg5[%get3A_5] {strides = array<i32>} : memref<32xf32, #tpu.memory_space<vmem>>, vector<16xf32>,
    %get3A_7 = vector.shape_cast %get3A_6 : vector<16xf32> to vector<16xf32>
    %mul3A = arith.constant 2048 : i32
    %mul3A_8 = arith.muli %arg0, %mul3A : i32
    %scan3A = arith.constant 0 : i32
    %scan3A_9 = arith.constant 0 : i32
    %scan3A_10 = arith.constant 32 : i32
    %scan3A_11 = arith.addi %scan3A_9, %scan3A_10 : i32
    %scan3A_12 = arith.constant 1 : i32
    scf.for %scan3A_14 = %scan3A_9 to %scan3A_11 step %scan3A_12  : i32 {
      %mul3A_15 = arith.constant 64 : i32
      %mul3A_16 = arith.muli %scan3A_14, %mul3A_15 : i32
      %add3A = arith.addi %mul3A_8, %mul3A_16 : i32
      %add3A_17 = arith.constant 0 : i32
      %add3A_18 = arith.addi %add3A, %add3A_17 : i32
      %iota3A = tpu.iota {dimensions = array<i32: 0>} : vector<16xi32>
      %add3A_19 = vector.broadcast %add3A_18 : i32 to vector<16xi32>
      %add3A_20 = arith.addi %add3A_19, %iota3A : vector<16xi32>
      %sub3A = arith.constant 2047 : i32
      %sub3A_21 = vector.broadcast %sub3A : i32 to vector<16xi32>
      %sub3A_22 = arith.subi %add3A_20, %sub3A_21 : vector<16xi32>
      %add3A_23 = arith.addi %sub3A_22, %get3A_1 : vector<16xi32>
      %abs3A = math.absi %add3A_23 : vector<16xi32>
      %min3A = arith.constant 7 : i32
      %min3A_24 = vector.broadcast %min3A : i32 to vector<16xi32>
      %min3A_25 = arith.minsi %abs3A, %min3A_24 : vector<16xi32>
      %ge3A = arith.constant 11 : i32
      %ge3A_26 = vector.broadcast %ge3A : i32 to vector<16xi32>
      %ge3A_27 = arith.cmpi sge, %abs3A, %ge3A_26 : vector<16xi32>
      %jit3A = arith.constant 1 : i32
      %jit3A_28 = arith.constant 0 : i32
      %broadcast_in_dim3A = vector.broadcast %jit3A : i32 to vector<16xi32>
      %broadcast_in_dim3A_29 = vector.broadcast %jit3A_28 : i32 to vector<16xi32>
      %select_n3A = arith.select %ge3A_27, %broadcast_in_dim3A, %broadcast_in_dim3A_29 : vector<16xi1>, vector<16xi32>
      %add3A_30 = arith.addi %min3A_25, %select_n3A : vector<16xi32>
      %ge3A_31 = arith.constant 15 : i32
      %ge3A_32 = vector.broadcast %ge3A_31 : i32 to vector<16xi32>
      %ge3A_33 = arith.cmpi sge, %abs3A, %ge3A_32 : vector<16xi32>
      %jit3A_34 = arith.constant 1 : i32
      %jit3A_35 = arith.constant 0 : i32
      %broadcast_in_dim3A_36 = vector.broadcast %jit3A_34 : i32 to vector<16xi32>
      %broadcast_in_dim3A_37 = vector.broadcast %jit3A_35 : i32 to vector<16xi32>
      %select_n3A_38 = arith.select %ge3A_33, %broadcast_in_dim3A_36, %broadcast_in_dim3A_37 : vector<16xi1>, vector<16xi32>
      %add3A_39 = arith.addi %add3A_30, %select_n3A_38 : vector<16xi32>
      %ge3A_40 = arith.constant 21 : i32
      %ge3A_41 = vector.broadcast %ge3A_40 : i32 to vector<16xi32>
      %ge3A_42 = arith.cmpi sge, %abs3A, %ge3A_41 : vector<16xi32>
      %jit3A_43 = arith.constant 1 : i32
      %jit3A_44 = arith.constant 0 : i32
      %broadcast_in_dim3A_45 = vector.broadcast %jit3A_43 : i32 to vector<16xi32>
      %broadcast_in_dim3A_46 = vector.broadcast %jit3A_44 : i32 to vector<16xi32>
      %select_n3A_47 = arith.select %ge3A_42, %broadcast_in_dim3A_45, %broadcast_in_dim3A_46 : vector<16xi1>, vector<16xi32>
      %add3A_48 = arith.addi %add3A_39, %select_n3A_47 : vector<16xi32>
      %ge3A_49 = arith.constant 30 : i32
      %ge3A_50 = vector.broadcast %ge3A_49 : i32 to vector<16xi32>
      %ge3A_51 = arith.cmpi sge, %abs3A, %ge3A_50 : vector<16xi32>
      %jit3A_52 = arith.constant 1 : i32
      %jit3A_53 = arith.constant 0 : i32
      %broadcast_in_dim3A_54 = vector.broadcast %jit3A_52 : i32 to vector<16xi32>
      %broadcast_in_dim3A_55 = vector.broadcast %jit3A_53 : i32 to vector<16xi32>
      %select_n3A_56 = arith.select %ge3A_51, %broadcast_in_dim3A_54, %broadcast_in_dim3A_55 : vector<16xi1>, vector<16xi32>
      %add3A_57 = arith.addi %add3A_48, %select_n3A_56 : vector<16xi32>
      %ge3A_58 = arith.constant 44 : i32
      %ge3A_59 = vector.broadcast %ge3A_58 : i32 to vector<16xi32>
      %ge3A_60 = arith.cmpi sge, %abs3A, %ge3A_59 : vector<16xi32>
      %jit3A_61 = arith.constant 1 : i32
      %jit3A_62 = arith.constant 0 : i32
      %broadcast_in_dim3A_63 = vector.broadcast %jit3A_61 : i32 to vector<16xi32>
      %broadcast_in_dim3A_64 = vector.broadcast %jit3A_62 : i32 to vector<16xi32>
      %select_n3A_65 = arith.select %ge3A_60, %broadcast_in_dim3A_63, %broadcast_in_dim3A_64 : vector<16xi1>, vector<16xi32>
      %add3A_66 = arith.addi %add3A_57, %select_n3A_65 : vector<16xi32>
      %ge3A_67 = arith.constant 62 : i32
      %ge3A_68 = vector.broadcast %ge3A_67 : i32 to vector<16xi32>
      %ge3A_69 = arith.cmpi sge, %abs3A, %ge3A_68 : vector<16xi32>
      %jit3A_70 = arith.constant 1 : i32
      %jit3A_71 = arith.constant 0 : i32
      %broadcast_in_dim3A_72 = vector.broadcast %jit3A_70 : i32 to vector<16xi32>
      %broadcast_in_dim3A_73 = vector.broadcast %jit3A_71 : i32 to vector<16xi32>
      %select_n3A_74 = arith.select %ge3A_69, %broadcast_in_dim3A_72, %broadcast_in_dim3A_73 : vector<16xi1>, vector<16xi32>
      %add3A_75 = arith.addi %add3A_66, %select_n3A_74 : vector<16xi32>
      %ge3A_76 = arith.constant 90 : i32
      %ge3A_77 = vector.broadcast %ge3A_76 : i32 to vector<16xi32>
      %ge3A_78 = arith.cmpi sge, %abs3A, %ge3A_77 : vector<16xi32>
      %jit3A_79 = arith.constant 1 : i32
      %jit3A_80 = arith.constant 0 : i32
      %broadcast_in_dim3A_81 = vector.broadcast %jit3A_79 : i32 to vector<16xi32>
      %broadcast_in_dim3A_82 = vector.broadcast %jit3A_80 : i32 to vector<16xi32>
      %select_n3A_83 = arith.select %ge3A_78, %broadcast_in_dim3A_81, %broadcast_in_dim3A_82 : vector<16xi1>, vector<16xi32>
      %add3A_84 = arith.addi %add3A_75, %select_n3A_83 : vector<16xi32>
      %ge3A_85 = arith.constant 128 : i32
      %ge3A_86 = vector.broadcast %ge3A_85 : i32 to vector<16xi32>
      %ge3A_87 = arith.cmpi sge, %abs3A, %ge3A_86 : vector<16xi32>
      %jit3A_88 = arith.constant 1 : i32
      %jit3A_89 = arith.constant 0 : i32
      %broadcast_in_dim3A_90 = vector.broadcast %jit3A_88 : i32 to vector<16xi32>
      %broadcast_in_dim3A_91 = vector.broadcast %jit3A_89 : i32 to vector<16xi32>
      %select_n3A_92 = arith.select %ge3A_87, %broadcast_in_dim3A_90, %broadcast_in_dim3A_91 : vector<16xi1>, vector<16xi32>
      %add3A_93 = arith.addi %add3A_84, %select_n3A_92 : vector<16xi32>
      %lt3A = arith.constant 0 : i32
      %lt3A_94 = vector.broadcast %lt3A : i32 to vector<16xi32>
      %lt3A_95 = arith.cmpi slt, %add3A_93, %lt3A_94 : vector<16xi32>
      %add3A_96 = arith.constant 16 : i32
      %add3A_97 = vector.broadcast %add3A_96 : i32 to vector<16xi32>
      %add3A_98 = arith.addi %add3A_93, %add3A_97 : vector<16xi32>
      %select_n3A_99 = arith.select %lt3A_95, %add3A_98, %add3A_93 : vector<16xi1>, vector<16xi32>
      %broadcast_in_dim3A_100 = vector.shape_cast %select_n3A_99 : vector<16xi32> to vector<16x1xi32>
      %gather3A = vector.shape_cast %broadcast_in_dim3A_100 : vector<16x1xi32> to vector<16xi32>
      %gather3A_101 = tpu.dynamic_gather %get3A_4[%gather3A] in [0] : vector<16xf32>, vector<16xi32> -> vector<16xf32>
      %lt3A_102 = arith.constant 0 : i32
      %lt3A_103 = vector.broadcast %lt3A_102 : i32 to vector<16xi32>
      %lt3A_104 = arith.cmpi slt, %add3A_93, %lt3A_103 : vector<16xi32>
      %add3A_105 = arith.constant 16 : i32
      %add3A_106 = vector.broadcast %add3A_105 : i32 to vector<16xi32>
      %add3A_107 = arith.addi %add3A_93, %add3A_106 : vector<16xi32>
      %select_n3A_108 = arith.select %lt3A_104, %add3A_107, %add3A_93 : vector<16xi1>, vector<16xi32>
      %broadcast_in_dim3A_109 = vector.shape_cast %select_n3A_108 : vector<16xi32> to vector<16x1xi32>
      %gather3A_110 = vector.shape_cast %broadcast_in_dim3A_109 : vector<16x1xi32> to vector<16xi32>
      %gather3A_111 = tpu.dynamic_gather %get3A_7[%gather3A_110] in [0] : vector<16xf32>, vector<16xi32> -> vector<16xf32>
      %gt3A = arith.constant 0 : i32
      %gt3A_112 = vector.broadcast %gt3A : i32 to vector<16xi32>
      %gt3A_113 = arith.cmpi sgt, %add3A_23, %gt3A_112 : vector<16xi32>
      %select_n3A_114 = arith.select %gt3A_113, %gather3A_111, %gather3A_101 : vector<16xi1>, vector<16xf32>
      %mul3A_115 = arith.constant 64 : i32
      %mul3A_116 = arith.muli %scan3A_14, %mul3A_115 : i32
      %add3A_117 = arith.constant 0 : i32
      %add3A_118 = arith.addi %mul3A_116, %add3A_117 : i32
      %swap3A = arith.index_cast %add3A_118 : i32 to index
      %swap3A_119 = tpu.vector_load %arg7[%swap3A] {strides = array<i32>} : memref<2048xf32, #tpu.memory_space<vmem>>, vector<16xf32>,
      %swap3A_120 = vector.shape_cast %swap3A_119 : vector<16xf32> to vector<16xf32>
      %swap3A_121 = vector.shape_cast %select_n3A_114 : vector<16xf32> to vector<16xf32>
      tpu.vector_store %arg7[%swap3A], %swap3A_121 {strides = array<i32>} : memref<2048xf32, #tpu.memory_space<vmem>>, vector<16xf32>,
      %mul3A_122 = arith.constant 64 : i32
      %mul3A_123 = arith.muli %scan3A_14, %mul3A_122 : i32
      %add3A_124 = arith.addi %mul3A_8, %mul3A_123 : i32
      %add3A_125 = arith.constant 16 : i32
      %add3A_126 = arith.addi %add3A_124, %add3A_125 : i32
      %iota3A_127 = tpu.iota {dimensions = array<i32: 0>} : vector<16xi32>
      %add3A_128 = vector.broadcast %add3A_126 : i32 to vector<16xi32>
      %add3A_129 = arith.addi %add3A_128, %iota3A_127 : vector<16xi32>
      %sub3A_130 = arith.constant 2047 : i32
      %sub3A_131 = vector.broadcast %sub3A_130 : i32 to vector<16xi32>
      %sub3A_132 = arith.subi %add3A_129, %sub3A_131 : vector<16xi32>
      %add3A_133 = arith.addi %sub3A_132, %get3A_1 : vector<16xi32>
      %abs3A_134 = math.absi %add3A_133 : vector<16xi32>
      %min3A_135 = arith.constant 7 : i32
      %min3A_136 = vector.broadcast %min3A_135 : i32 to vector<16xi32>
      %min3A_137 = arith.minsi %abs3A_134, %min3A_136 : vector<16xi32>
      %ge3A_138 = arith.constant 11 : i32
      %ge3A_139 = vector.broadcast %ge3A_138 : i32 to vector<16xi32>
      %ge3A_140 = arith.cmpi sge, %abs3A_134, %ge3A_139 : vector<16xi32>
      %jit3A_141 = arith.constant 1 : i32
      %jit3A_142 = arith.constant 0 : i32
      %broadcast_in_dim3A_143 = vector.broadcast %jit3A_141 : i32 to vector<16xi32>
      %broadcast_in_dim3A_144 = vector.broadcast %jit3A_142 : i32 to vector<16xi32>
      %select_n3A_145 = arith.select %ge3A_140, %broadcast_in_dim3A_143, %broadcast_in_dim3A_144 : vector<16xi1>, vector<16xi32>
      %add3A_146 = arith.addi %min3A_137, %select_n3A_145 : vector<16xi32>
      %ge3A_147 = arith.constant 15 : i32
      %ge3A_148 = vector.broadcast %ge3A_147 : i32 to vector<16xi32>
      %ge3A_149 = arith.cmpi sge, %abs3A_134, %ge3A_148 : vector<16xi32>
      %jit3A_150 = arith.constant 1 : i32
      %jit3A_151 = arith.constant 0 : i32
      %broadcast_in_dim3A_152 = vector.broadcast %jit3A_150 : i32 to vector<16xi32>
      %broadcast_in_dim3A_153 = vector.broadcast %jit3A_151 : i32 to vector<16xi32>
      %select_n3A_154 = arith.select %ge3A_149, %broadcast_in_dim3A_152, %broadcast_in_dim3A_153 : vector<16xi1>, vector<16xi32>
      %add3A_155 = arith.addi %add3A_146, %select_n3A_154 : vector<16xi32>
      %ge3A_156 = arith.constant 21 : i32
      %ge3A_157 = vector.broadcast %ge3A_156 : i32 to vector<16xi32>
      %ge3A_158 = arith.cmpi sge, %abs3A_134, %ge3A_157 : vector<16xi32>
      %jit3A_159 = arith.constant 1 : i32
      %jit3A_160 = arith.constant 0 : i32
      %broadcast_in_dim3A_161 = vector.broadcast %jit3A_159 : i32 to vector<16xi32>
      %broadcast_in_dim3A_162 = vector.broadcast %jit3A_160 : i32 to vector<16xi32>
      %select_n3A_163 = arith.select %ge3A_158, %broadcast_in_dim3A_161, %broadcast_in_dim3A_162 : vector<16xi1>, vector<16xi32>
      %add3A_164 = arith.addi %add3A_155, %select_n3A_163 : vector<16xi32>
      %ge3A_165 = arith.constant 30 : i32
      %ge3A_166 = vector.broadcast %ge3A_165 : i32 to vector<16xi32>
      %ge3A_167 = arith.cmpi sge, %abs3A_134, %ge3A_166 : vector<16xi32>
      %jit3A_168 = arith.constant 1 : i32
      %jit3A_169 = arith.constant 0 : i32
      %broadcast_in_dim3A_170 = vector.broadcast %jit3A_168 : i32 to vector<16xi32>
      %broadcast_in_dim3A_171 = vector.broadcast %jit3A_169 : i32 to vector<16xi32>
      %select_n3A_172 = arith.select %ge3A_167, %broadcast_in_dim3A_170, %broadcast_in_dim3A_171 : vector<16xi1>, vector<16xi32>
      %add3A_173 = arith.addi %add3A_164, %select_n3A_172 : vector<16xi32>
      %ge3A_174 = arith.constant 44 : i32
      %ge3A_175 = vector.broadcast %ge3A_174 : i32 to vector<16xi32>
      %ge3A_176 = arith.cmpi sge, %abs3A_134, %ge3A_175 : vector<16xi32>
      %jit3A_177 = arith.constant 1 : i32
      %jit3A_178 = arith.constant 0 : i32
      %broadcast_in_dim3A_179 = vector.broadcast %jit3A_177 : i32 to vector<16xi32>
      %broadcast_in_dim3A_180 = vector.broadcast %jit3A_178 : i32 to vector<16xi32>
      %select_n3A_181 = arith.select %ge3A_176, %broadcast_in_dim3A_179, %broadcast_in_dim3A_180 : vector<16xi1>, vector<16xi32>
      %add3A_182 = arith.addi %add3A_173, %select_n3A_181 : vector<16xi32>
      %ge3A_183 = arith.constant 62 : i32
      %ge3A_184 = vector.broadcast %ge3A_183 : i32 to vector<16xi32>
      %ge3A_185 = arith.cmpi sge, %abs3A_134, %ge3A_184 : vector<16xi32>
      %jit3A_186 = arith.constant 1 : i32
      %jit3A_187 = arith.constant 0 : i32
      %broadcast_in_dim3A_188 = vector.broadcast %jit3A_186 : i32 to vector<16xi32>
      %broadcast_in_dim3A_189 = vector.broadcast %jit3A_187 : i32 to vector<16xi32>
      %select_n3A_190 = arith.select %ge3A_185, %broadcast_in_dim3A_188, %broadcast_in_dim3A_189 : vector<16xi1>, vector<16xi32>
      %add3A_191 = arith.addi %add3A_182, %select_n3A_190 : vector<16xi32>
      %ge3A_192 = arith.constant 90 : i32
      %ge3A_193 = vector.broadcast %ge3A_192 : i32 to vector<16xi32>
      %ge3A_194 = arith.cmpi sge, %abs3A_134, %ge3A_193 : vector<16xi32>
      %jit3A_195 = arith.constant 1 : i32
      %jit3A_196 = arith.constant 0 : i32
      %broadcast_in_dim3A_197 = vector.broadcast %jit3A_195 : i32 to vector<16xi32>
      %broadcast_in_dim3A_198 = vector.broadcast %jit3A_196 : i32 to vector<16xi32>
      %select_n3A_199 = arith.select %ge3A_194, %broadcast_in_dim3A_197, %broadcast_in_dim3A_198 : vector<16xi1>, vector<16xi32>
      %add3A_200 = arith.addi %add3A_191, %select_n3A_199 : vector<16xi32>
      %ge3A_201 = arith.constant 128 : i32
      %ge3A_202 = vector.broadcast %ge3A_201 : i32 to vector<16xi32>
      %ge3A_203 = arith.cmpi sge, %abs3A_134, %ge3A_202 : vector<16xi32>
      %jit3A_204 = arith.constant 1 : i32
      %jit3A_205 = arith.constant 0 : i32
      %broadcast_in_dim3A_206 = vector.broadcast %jit3A_204 : i32 to vector<16xi32>
      %broadcast_in_dim3A_207 = vector.broadcast %jit3A_205 : i32 to vector<16xi32>
      %select_n3A_208 = arith.select %ge3A_203, %broadcast_in_dim3A_206, %broadcast_in_dim3A_207 : vector<16xi1>, vector<16xi32>
      %add3A_209 = arith.addi %add3A_200, %select_n3A_208 : vector<16xi32>
      %lt3A_210 = arith.constant 0 : i32
      %lt3A_211 = vector.broadcast %lt3A_210 : i32 to vector<16xi32>
      %lt3A_212 = arith.cmpi slt, %add3A_209, %lt3A_211 : vector<16xi32>
      %add3A_213 = arith.constant 16 : i32
      %add3A_214 = vector.broadcast %add3A_213 : i32 to vector<16xi32>
      %add3A_215 = arith.addi %add3A_209, %add3A_214 : vector<16xi32>
      %select_n3A_216 = arith.select %lt3A_212, %add3A_215, %add3A_209 : vector<16xi1>, vector<16xi32>
      %broadcast_in_dim3A_217 = vector.shape_cast %select_n3A_216 : vector<16xi32> to vector<16x1xi32>
      %gather3A_218 = vector.shape_cast %broadcast_in_dim3A_217 : vector<16x1xi32> to vector<16xi32>
      %gather3A_219 = tpu.dynamic_gather %get3A_4[%gather3A_218] in [0] : vector<16xf32>, vector<16xi32> -> vector<16xf32>
      %lt3A_220 = arith.constant 0 : i32
      %lt3A_221 = vector.broadcast %lt3A_220 : i32 to vector<16xi32>
      %lt3A_222 = arith.cmpi slt, %add3A_209, %lt3A_221 : vector<16xi32>
      %add3A_223 = arith.constant 16 : i32
      %add3A_224 = vector.broadcast %add3A_223 : i32 to vector<16xi32>
      %add3A_225 = arith.addi %add3A_209, %add3A_224 : vector<16xi32>
      %select_n3A_226 = arith.select %lt3A_222, %add3A_225, %add3A_209 : vector<16xi1>, vector<16xi32>
      %broadcast_in_dim3A_227 = vector.shape_cast %select_n3A_226 : vector<16xi32> to vector<16x1xi32>
      %gather3A_228 = vector.shape_cast %broadcast_in_dim3A_227 : vector<16x1xi32> to vector<16xi32>
      %gather3A_229 = tpu.dynamic_gather %get3A_7[%gather3A_228] in [0] : vector<16xf32>, vector<16xi32> -> vector<16xf32>
      %gt3A_230 = arith.constant 0 : i32
      %gt3A_231 = vector.broadcast %gt3A_230 : i32 to vector<16xi32>
      %gt3A_232 = arith.cmpi sgt, %add3A_133, %gt3A_231 : vector<16xi32>
      %select_n3A_233 = arith.select %gt3A_232, %gather3A_229, %gather3A_219 : vector<16xi1>, vector<16xf32>
      %mul3A_234 = arith.constant 64 : i32
      %mul3A_235 = arith.muli %scan3A_14, %mul3A_234 : i32
      %add3A_236 = arith.constant 16 : i32
      %add3A_237 = arith.addi %mul3A_235, %add3A_236 : i32
      %swap3A_238 = arith.index_cast %add3A_237 : i32 to index
      %swap3A_239 = tpu.vector_load %arg7[%swap3A_238] {strides = array<i32>} : memref<2048xf32, #tpu.memory_space<vmem>>, vector<16xf32>,
      %swap3A_240 = vector.shape_cast %swap3A_239 : vector<16xf32> to vector<16xf32>
      %swap3A_241 = vector.shape_cast %select_n3A_233 : vector<16xf32> to vector<16xf32>
      tpu.vector_store %arg7[%swap3A_238], %swap3A_241 {strides = array<i32>} : memref<2048xf32, #tpu.memory_space<vmem>>, vector<16xf32>,
      %mul3A_242 = arith.constant 64 : i32
      %mul3A_243 = arith.muli %scan3A_14, %mul3A_242 : i32
      %add3A_244 = arith.addi %mul3A_8, %mul3A_243 : i32
      %add3A_245 = arith.constant 32 : i32
      %add3A_246 = arith.addi %add3A_244, %add3A_245 : i32
      %iota3A_247 = tpu.iota {dimensions = array<i32: 0>} : vector<16xi32>
      %add3A_248 = vector.broadcast %add3A_246 : i32 to vector<16xi32>
      %add3A_249 = arith.addi %add3A_248, %iota3A_247 : vector<16xi32>
      %sub3A_250 = arith.constant 2047 : i32
      %sub3A_251 = vector.broadcast %sub3A_250 : i32 to vector<16xi32>
      %sub3A_252 = arith.subi %add3A_249, %sub3A_251 : vector<16xi32>
      %add3A_253 = arith.addi %sub3A_252, %get3A_1 : vector<16xi32>
      %abs3A_254 = math.absi %add3A_253 : vector<16xi32>
      %min3A_255 = arith.constant 7 : i32
      %min3A_256 = vector.broadcast %min3A_255 : i32 to vector<16xi32>
      %min3A_257 = arith.minsi %abs3A_254, %min3A_256 : vector<16xi32>
      %ge3A_258 = arith.constant 11 : i32
      %ge3A_259 = vector.broadcast %ge3A_258 : i32 to vector<16xi32>
      %ge3A_260 = arith.cmpi sge, %abs3A_254, %ge3A_259 : vector<16xi32>
      %jit3A_261 = arith.constant 1 : i32
      %jit3A_262 = arith.constant 0 : i32
      %broadcast_in_dim3A_263 = vector.broadcast %jit3A_261 : i32 to vector<16xi32>
      %broadcast_in_dim3A_264 = vector.broadcast %jit3A_262 : i32 to vector<16xi32>
      %select_n3A_265 = arith.select %ge3A_260, %broadcast_in_dim3A_263, %broadcast_in_dim3A_264 : vector<16xi1>, vector<16xi32>
      %add3A_266 = arith.addi %min3A_257, %select_n3A_265 : vector<16xi32>
      %ge3A_267 = arith.constant 15 : i32
      %ge3A_268 = vector.broadcast %ge3A_267 : i32 to vector<16xi32>
      %ge3A_269 = arith.cmpi sge, %abs3A_254, %ge3A_268 : vector<16xi32>
      %jit3A_270 = arith.constant 1 : i32
      %jit3A_271 = arith.constant 0 : i32
      %broadcast_in_dim3A_272 = vector.broadcast %jit3A_270 : i32 to vector<16xi32>
      %broadcast_in_dim3A_273 = vector.broadcast %jit3A_271 : i32 to vector<16xi32>
      %select_n3A_274 = arith.select %ge3A_269, %broadcast_in_dim3A_272, %broadcast_in_dim3A_273 : vector<16xi1>, vector<16xi32>
      %add3A_275 = arith.addi %add3A_266, %select_n3A_274 : vector<16xi32>
      %ge3A_276 = arith.constant 21 : i32
      %ge3A_277 = vector.broadcast %ge3A_276 : i32 to vector<16xi32>
      %ge3A_278 = arith.cmpi sge, %abs3A_254, %ge3A_277 : vector<16xi32>
      %jit3A_279 = arith.constant 1 : i32
      %jit3A_280 = arith.constant 0 : i32
      %broadcast_in_dim3A_281 = vector.broadcast %jit3A_279 : i32 to vector<16xi32>
      %broadcast_in_dim3A_282 = vector.broadcast %jit3A_280 : i32 to vector<16xi32>
      %select_n3A_283 = arith.select %ge3A_278, %broadcast_in_dim3A_281, %broadcast_in_dim3A_282 : vector<16xi1>, vector<16xi32>
      %add3A_284 = arith.addi %add3A_275, %select_n3A_283 : vector<16xi32>
      %ge3A_285 = arith.constant 30 : i32
      %ge3A_286 = vector.broadcast %ge3A_285 : i32 to vector<16xi32>
      %ge3A_287 = arith.cmpi sge, %abs3A_254, %ge3A_286 : vector<16xi32>
      %jit3A_288 = arith.constant 1 : i32
      %jit3A_289 = arith.constant 0 : i32
      %broadcast_in_dim3A_290 = vector.broadcast %jit3A_288 : i32 to vector<16xi32>
      %broadcast_in_dim3A_291 = vector.broadcast %jit3A_289 : i32 to vector<16xi32>
      %select_n3A_292 = arith.select %ge3A_287, %broadcast_in_dim3A_290, %broadcast_in_dim3A_291 : vector<16xi1>, vector<16xi32>
      %add3A_293 = arith.addi %add3A_284, %select_n3A_292 : vector<16xi32>
      %ge3A_294 = arith.constant 44 : i32
      %ge3A_295 = vector.broadcast %ge3A_294 : i32 to vector<16xi32>
      %ge3A_296 = arith.cmpi sge, %abs3A_254, %ge3A_295 : vector<16xi32>
      %jit3A_297 = arith.constant 1 : i32
      %jit3A_298 = arith.constant 0 : i32
      %broadcast_in_dim3A_299 = vector.broadcast %jit3A_297 : i32 to vector<16xi32>
      %broadcast_in_dim3A_300 = vector.broadcast %jit3A_298 : i32 to vector<16xi32>
      %select_n3A_301 = arith.select %ge3A_296, %broadcast_in_dim3A_299, %broadcast_in_dim3A_300 : vector<16xi1>, vector<16xi32>
      %add3A_302 = arith.addi %add3A_293, %select_n3A_301 : vector<16xi32>
      %ge3A_303 = arith.constant 62 : i32
      %ge3A_304 = vector.broadcast %ge3A_303 : i32 to vector<16xi32>
      %ge3A_305 = arith.cmpi sge, %abs3A_254, %ge3A_304 : vector<16xi32>
      %jit3A_306 = arith.constant 1 : i32
      %jit3A_307 = arith.constant 0 : i32
      %broadcast_in_dim3A_308 = vector.broadcast %jit3A_306 : i32 to vector<16xi32>
      %broadcast_in_dim3A_309 = vector.broadcast %jit3A_307 : i32 to vector<16xi32>
      %select_n3A_310 = arith.select %ge3A_305, %broadcast_in_dim3A_308, %broadcast_in_dim3A_309 : vector<16xi1>, vector<16xi32>
      %add3A_311 = arith.addi %add3A_302, %select_n3A_310 : vector<16xi32>
      %ge3A_312 = arith.constant 90 : i32
      %ge3A_313 = vector.broadcast %ge3A_312 : i32 to vector<16xi32>
      %ge3A_314 = arith.cmpi sge, %abs3A_254, %ge3A_313 : vector<16xi32>
      %jit3A_315 = arith.constant 1 : i32
      %jit3A_316 = arith.constant 0 : i32
      %broadcast_in_dim3A_317 = vector.broadcast %jit3A_315 : i32 to vector<16xi32>
      %broadcast_in_dim3A_318 = vector.broadcast %jit3A_316 : i32 to vector<16xi32>
      %select_n3A_319 = arith.select %ge3A_314, %broadcast_in_dim3A_317, %broadcast_in_dim3A_318 : vector<16xi1>, vector<16xi32>
      %add3A_320 = arith.addi %add3A_311, %select_n3A_319 : vector<16xi32>
      %ge3A_321 = arith.constant 128 : i32
      %ge3A_322 = vector.broadcast %ge3A_321 : i32 to vector<16xi32>
      %ge3A_323 = arith.cmpi sge, %abs3A_254, %ge3A_322 : vector<16xi32>
      %jit3A_324 = arith.constant 1 : i32
      %jit3A_325 = arith.constant 0 : i32
      %broadcast_in_dim3A_326 = vector.broadcast %jit3A_324 : i32 to vector<16xi32>
      %broadcast_in_dim3A_327 = vector.broadcast %jit3A_325 : i32 to vector<16xi32>
      %select_n3A_328 = arith.select %ge3A_323, %broadcast_in_dim3A_326, %broadcast_in_dim3A_327 : vector<16xi1>, vector<16xi32>
      %add3A_329 = arith.addi %add3A_320, %select_n3A_328 : vector<16xi32>
      %lt3A_330 = arith.constant 0 : i32
      %lt3A_331 = vector.broadcast %lt3A_330 : i32 to vector<16xi32>
      %lt3A_332 = arith.cmpi slt, %add3A_329, %lt3A_331 : vector<16xi32>
      %add3A_333 = arith.constant 16 : i32
      %add3A_334 = vector.broadcast %add3A_333 : i32 to vector<16xi32>
      %add3A_335 = arith.addi %add3A_329, %add3A_334 : vector<16xi32>
      %select_n3A_336 = arith.select %lt3A_332, %add3A_335, %add3A_329 : vector<16xi1>, vector<16xi32>
      %broadcast_in_dim3A_337 = vector.shape_cast %select_n3A_336 : vector<16xi32> to vector<16x1xi32>
      %gather3A_338 = vector.shape_cast %broadcast_in_dim3A_337 : vector<16x1xi32> to vector<16xi32>
      %gather3A_339 = tpu.dynamic_gather %get3A_4[%gather3A_338] in [0] : vector<16xf32>, vector<16xi32> -> vector<16xf32>
      %lt3A_340 = arith.constant 0 : i32
      %lt3A_341 = vector.broadcast %lt3A_340 : i32 to vector<16xi32>
      %lt3A_342 = arith.cmpi slt, %add3A_329, %lt3A_341 : vector<16xi32>
      %add3A_343 = arith.constant 16 : i32
      %add3A_344 = vector.broadcast %add3A_343 : i32 to vector<16xi32>
      %add3A_345 = arith.addi %add3A_329, %add3A_344 : vector<16xi32>
      %select_n3A_346 = arith.select %lt3A_342, %add3A_345, %add3A_329 : vector<16xi1>, vector<16xi32>
      %broadcast_in_dim3A_347 = vector.shape_cast %select_n3A_346 : vector<16xi32> to vector<16x1xi32>
      %gather3A_348 = vector.shape_cast %broadcast_in_dim3A_347 : vector<16x1xi32> to vector<16xi32>
      %gather3A_349 = tpu.dynamic_gather %get3A_7[%gather3A_348] in [0] : vector<16xf32>, vector<16xi32> -> vector<16xf32>
      %gt3A_350 = arith.constant 0 : i32
      %gt3A_351 = vector.broadcast %gt3A_350 : i32 to vector<16xi32>
      %gt3A_352 = arith.cmpi sgt, %add3A_253, %gt3A_351 : vector<16xi32>
      %select_n3A_353 = arith.select %gt3A_352, %gather3A_349, %gather3A_339 : vector<16xi1>, vector<16xf32>
      %mul3A_354 = arith.constant 64 : i32
      %mul3A_355 = arith.muli %scan3A_14, %mul3A_354 : i32
      %add3A_356 = arith.constant 32 : i32
      %add3A_357 = arith.addi %mul3A_355, %add3A_356 : i32
      %swap3A_358 = arith.index_cast %add3A_357 : i32 to index
      %swap3A_359 = tpu.vector_load %arg7[%swap3A_358] {strides = array<i32>} : memref<2048xf32, #tpu.memory_space<vmem>>, vector<16xf32>,
      %swap3A_360 = vector.shape_cast %swap3A_359 : vector<16xf32> to vector<16xf32>
      %swap3A_361 = vector.shape_cast %select_n3A_353 : vector<16xf32> to vector<16xf32>
      tpu.vector_store %arg7[%swap3A_358], %swap3A_361 {strides = array<i32>} : memref<2048xf32, #tpu.memory_space<vmem>>, vector<16xf32>,
      %mul3A_362 = arith.constant 64 : i32
      %mul3A_363 = arith.muli %scan3A_14, %mul3A_362 : i32
      %add3A_364 = arith.addi %mul3A_8, %mul3A_363 : i32
      %add3A_365 = arith.constant 48 : i32
      %add3A_366 = arith.addi %add3A_364, %add3A_365 : i32
      %iota3A_367 = tpu.iota {dimensions = array<i32: 0>} : vector<16xi32>
      %add3A_368 = vector.broadcast %add3A_366 : i32 to vector<16xi32>
      %add3A_369 = arith.addi %add3A_368, %iota3A_367 : vector<16xi32>
      %sub3A_370 = arith.constant 2047 : i32
      %sub3A_371 = vector.broadcast %sub3A_370 : i32 to vector<16xi32>
      %sub3A_372 = arith.subi %add3A_369, %sub3A_371 : vector<16xi32>
      %add3A_373 = arith.addi %sub3A_372, %get3A_1 : vector<16xi32>
      %abs3A_374 = math.absi %add3A_373 : vector<16xi32>
      %min3A_375 = arith.constant 7 : i32
      %min3A_376 = vector.broadcast %min3A_375 : i32 to vector<16xi32>
      %min3A_377 = arith.minsi %abs3A_374, %min3A_376 : vector<16xi32>
      %ge3A_378 = arith.constant 11 : i32
      %ge3A_379 = vector.broadcast %ge3A_378 : i32 to vector<16xi32>
      %ge3A_380 = arith.cmpi sge, %abs3A_374, %ge3A_379 : vector<16xi32>
      %jit3A_381 = arith.constant 1 : i32
      %jit3A_382 = arith.constant 0 : i32
      %broadcast_in_dim3A_383 = vector.broadcast %jit3A_381 : i32 to vector<16xi32>
      %broadcast_in_dim3A_384 = vector.broadcast %jit3A_382 : i32 to vector<16xi32>
      %select_n3A_385 = arith.select %ge3A_380, %broadcast_in_dim3A_383, %broadcast_in_dim3A_384 : vector<16xi1>, vector<16xi32>
      %add3A_386 = arith.addi %min3A_377, %select_n3A_385 : vector<16xi32>
      %ge3A_387 = arith.constant 15 : i32
      %ge3A_388 = vector.broadcast %ge3A_387 : i32 to vector<16xi32>
      %ge3A_389 = arith.cmpi sge, %abs3A_374, %ge3A_388 : vector<16xi32>
      %jit3A_390 = arith.constant 1 : i32
      %jit3A_391 = arith.constant 0 : i32
      %broadcast_in_dim3A_392 = vector.broadcast %jit3A_390 : i32 to vector<16xi32>
      %broadcast_in_dim3A_393 = vector.broadcast %jit3A_391 : i32 to vector<16xi32>
      %select_n3A_394 = arith.select %ge3A_389, %broadcast_in_dim3A_392, %broadcast_in_dim3A_393 : vector<16xi1>, vector<16xi32>
      %add3A_395 = arith.addi %add3A_386, %select_n3A_394 : vector<16xi32>
      %ge3A_396 = arith.constant 21 : i32
      %ge3A_397 = vector.broadcast %ge3A_396 : i32 to vector<16xi32>
      %ge3A_398 = arith.cmpi sge, %abs3A_374, %ge3A_397 : vector<16xi32>
      %jit3A_399 = arith.constant 1 : i32
      %jit3A_400 = arith.constant 0 : i32
      %broadcast_in_dim3A_401 = vector.broadcast %jit3A_399 : i32 to vector<16xi32>
      %broadcast_in_dim3A_402 = vector.broadcast %jit3A_400 : i32 to vector<16xi32>
      %select_n3A_403 = arith.select %ge3A_398, %broadcast_in_dim3A_401, %broadcast_in_dim3A_402 : vector<16xi1>, vector<16xi32>
      %add3A_404 = arith.addi %add3A_395, %select_n3A_403 : vector<16xi32>
      %ge3A_405 = arith.constant 30 : i32
      %ge3A_406 = vector.broadcast %ge3A_405 : i32 to vector<16xi32>
      %ge3A_407 = arith.cmpi sge, %abs3A_374, %ge3A_406 : vector<16xi32>
      %jit3A_408 = arith.constant 1 : i32
      %jit3A_409 = arith.constant 0 : i32
      %broadcast_in_dim3A_410 = vector.broadcast %jit3A_408 : i32 to vector<16xi32>
      %broadcast_in_dim3A_411 = vector.broadcast %jit3A_409 : i32 to vector<16xi32>
      %select_n3A_412 = arith.select %ge3A_407, %broadcast_in_dim3A_410, %broadcast_in_dim3A_411 : vector<16xi1>, vector<16xi32>
      %add3A_413 = arith.addi %add3A_404, %select_n3A_412 : vector<16xi32>
      %ge3A_414 = arith.constant 44 : i32
      %ge3A_415 = vector.broadcast %ge3A_414 : i32 to vector<16xi32>
      %ge3A_416 = arith.cmpi sge, %abs3A_374, %ge3A_415 : vector<16xi32>
      %jit3A_417 = arith.constant 1 : i32
      %jit3A_418 = arith.constant 0 : i32
      %broadcast_in_dim3A_419 = vector.broadcast %jit3A_417 : i32 to vector<16xi32>
      %broadcast_in_dim3A_420 = vector.broadcast %jit3A_418 : i32 to vector<16xi32>
      %select_n3A_421 = arith.select %ge3A_416, %broadcast_in_dim3A_419, %broadcast_in_dim3A_420 : vector<16xi1>, vector<16xi32>
      %add3A_422 = arith.addi %add3A_413, %select_n3A_421 : vector<16xi32>
      %ge3A_423 = arith.constant 62 : i32
      %ge3A_424 = vector.broadcast %ge3A_423 : i32 to vector<16xi32>
      %ge3A_425 = arith.cmpi sge, %abs3A_374, %ge3A_424 : vector<16xi32>
      %jit3A_426 = arith.constant 1 : i32
      %jit3A_427 = arith.constant 0 : i32
      %broadcast_in_dim3A_428 = vector.broadcast %jit3A_426 : i32 to vector<16xi32>
      %broadcast_in_dim3A_429 = vector.broadcast %jit3A_427 : i32 to vector<16xi32>
      %select_n3A_430 = arith.select %ge3A_425, %broadcast_in_dim3A_428, %broadcast_in_dim3A_429 : vector<16xi1>, vector<16xi32>
      %add3A_431 = arith.addi %add3A_422, %select_n3A_430 : vector<16xi32>
      %ge3A_432 = arith.constant 90 : i32
      %ge3A_433 = vector.broadcast %ge3A_432 : i32 to vector<16xi32>
      %ge3A_434 = arith.cmpi sge, %abs3A_374, %ge3A_433 : vector<16xi32>
      %jit3A_435 = arith.constant 1 : i32
      %jit3A_436 = arith.constant 0 : i32
      %broadcast_in_dim3A_437 = vector.broadcast %jit3A_435 : i32 to vector<16xi32>
      %broadcast_in_dim3A_438 = vector.broadcast %jit3A_436 : i32 to vector<16xi32>
      %select_n3A_439 = arith.select %ge3A_434, %broadcast_in_dim3A_437, %broadcast_in_dim3A_438 : vector<16xi1>, vector<16xi32>
      %add3A_440 = arith.addi %add3A_431, %select_n3A_439 : vector<16xi32>
      %ge3A_441 = arith.constant 128 : i32
      %ge3A_442 = vector.broadcast %ge3A_441 : i32 to vector<16xi32>
      %ge3A_443 = arith.cmpi sge, %abs3A_374, %ge3A_442 : vector<16xi32>
      %jit3A_444 = arith.constant 1 : i32
      %jit3A_445 = arith.constant 0 : i32
      %broadcast_in_dim3A_446 = vector.broadcast %jit3A_444 : i32 to vector<16xi32>
      %broadcast_in_dim3A_447 = vector.broadcast %jit3A_445 : i32 to vector<16xi32>
      %select_n3A_448 = arith.select %ge3A_443, %broadcast_in_dim3A_446, %broadcast_in_dim3A_447 : vector<16xi1>, vector<16xi32>
      %add3A_449 = arith.addi %add3A_440, %select_n3A_448 : vector<16xi32>
      %lt3A_450 = arith.constant 0 : i32
      %lt3A_451 = vector.broadcast %lt3A_450 : i32 to vector<16xi32>
      %lt3A_452 = arith.cmpi slt, %add3A_449, %lt3A_451 : vector<16xi32>
      %add3A_453 = arith.constant 16 : i32
      %add3A_454 = vector.broadcast %add3A_453 : i32 to vector<16xi32>
      %add3A_455 = arith.addi %add3A_449, %add3A_454 : vector<16xi32>
      %select_n3A_456 = arith.select %lt3A_452, %add3A_455, %add3A_449 : vector<16xi1>, vector<16xi32>
      %broadcast_in_dim3A_457 = vector.shape_cast %select_n3A_456 : vector<16xi32> to vector<16x1xi32>
      %gather3A_458 = vector.shape_cast %broadcast_in_dim3A_457 : vector<16x1xi32> to vector<16xi32>
      %gather3A_459 = tpu.dynamic_gather %get3A_4[%gather3A_458] in [0] : vector<16xf32>, vector<16xi32> -> vector<16xf32>
      %lt3A_460 = arith.constant 0 : i32
      %lt3A_461 = vector.broadcast %lt3A_460 : i32 to vector<16xi32>
      %lt3A_462 = arith.cmpi slt, %add3A_449, %lt3A_461 : vector<16xi32>
      %add3A_463 = arith.constant 16 : i32
      %add3A_464 = vector.broadcast %add3A_463 : i32 to vector<16xi32>
      %add3A_465 = arith.addi %add3A_449, %add3A_464 : vector<16xi32>
      %select_n3A_466 = arith.select %lt3A_462, %add3A_465, %add3A_449 : vector<16xi1>, vector<16xi32>
      %broadcast_in_dim3A_467 = vector.shape_cast %select_n3A_466 : vector<16xi32> to vector<16x1xi32>
      %gather3A_468 = vector.shape_cast %broadcast_in_dim3A_467 : vector<16x1xi32> to vector<16xi32>
      %gather3A_469 = tpu.dynamic_gather %get3A_7[%gather3A_468] in [0] : vector<16xf32>, vector<16xi32> -> vector<16xf32>
      %gt3A_470 = arith.constant 0 : i32
      %gt3A_471 = vector.broadcast %gt3A_470 : i32 to vector<16xi32>
      %gt3A_472 = arith.cmpi sgt, %add3A_373, %gt3A_471 : vector<16xi32>
      %select_n3A_473 = arith.select %gt3A_472, %gather3A_469, %gather3A_459 : vector<16xi1>, vector<16xf32>
      %mul3A_474 = arith.constant 64 : i32
      %mul3A_475 = arith.muli %scan3A_14, %mul3A_474 : i32
      %add3A_476 = arith.constant 48 : i32
      %add3A_477 = arith.addi %mul3A_475, %add3A_476 : i32
      %swap3A_478 = arith.index_cast %add3A_477 : i32 to index
      %swap3A_479 = tpu.vector_load %arg7[%swap3A_478] {strides = array<i32>} : memref<2048xf32, #tpu.memory_space<vmem>>, vector<16xf32>,
      %swap3A_480 = vector.shape_cast %swap3A_479 : vector<16xf32> to vector<16xf32>
      %swap3A_481 = vector.shape_cast %select_n3A_473 : vector<16xf32> to vector<16xf32>
      tpu.vector_store %arg7[%swap3A_478], %swap3A_481 {strides = array<i32>} : memref<2048xf32, #tpu.memory_space<vmem>>, vector<16xf32>,
    }
    %scan3A_13 = arith.constant 32 : i32
    "tpu.region"() ({
      %run_scoped3A = tpu.sem_alloc : memref<!tpu.dma_semaphore, #tpu.memory_space<semaphore_mem>>
      %dma_start3A = tpu.memref_slice %arg4[%arg1, %mul3A_8] : memref<16x4096xf32, #tpu.memory_space<hbm>> -> memref<1x2048xf32, #tpu.memory_space<hbm>>
      %dma_start3A_14 = tpu.memref_squeeze %dma_start3A : memref<1x2048xf32, #tpu.memory_space<hbm>> -> memref<2048xf32, #tpu.memory_space<hbm>>
      %dma_start3A_15 = tpu.memref_slice %arg4[%arg1, %mul3A_8] : memref<16x4096xf32, #tpu.memory_space<hbm>> -> memref<1x2048xf32, #tpu.memory_space<hbm>>
      %dma_start3A_16 = tpu.memref_squeeze %dma_start3A_15 : memref<1x2048xf32, #tpu.memory_space<hbm>> -> memref<2048xf32, #tpu.memory_space<hbm>>
      tpu.enqueue_dma source(%arg7 : memref<2048xf32, #tpu.memory_space<vmem>>) target(%dma_start3A_16 : memref<2048xf32, #tpu.memory_space<hbm>>) target_semaphore(%run_scoped3A : memref<!tpu.dma_semaphore, #tpu.memory_space<semaphore_mem>>)
      %dma_wait3A = tpu.memref_slice %arg4[%arg1, %mul3A_8] : memref<16x4096xf32, #tpu.memory_space<hbm>> -> memref<1x2048xf32, #tpu.memory_space<hbm>>
      %dma_wait3A_17 = tpu.memref_squeeze %dma_wait3A : memref<1x2048xf32, #tpu.memory_space<hbm>> -> memref<2048xf32, #tpu.memory_space<hbm>>
      %dma_wait3A_18 = tpu.memref_slice %arg4[%arg1, %mul3A_8] : memref<16x4096xf32, #tpu.memory_space<hbm>> -> memref<1x2048xf32, #tpu.memory_space<hbm>>
      %dma_wait3A_19 = tpu.memref_squeeze %dma_wait3A_18 : memref<1x2048xf32, #tpu.memory_space<hbm>> -> memref<2048xf32, #tpu.memory_space<hbm>>
      tpu.wait_dma2 semaphore(%run_scoped3A : memref<!tpu.dma_semaphore, #tpu.memory_space<semaphore_mem>>) src(%arg7 : memref<2048xf32, #tpu.memory_space<vmem>>) dst(%dma_wait3A_19 : memref<2048xf32, #tpu.memory_space<hbm>>)
      tpu.yield
    }) : () -> ()
    return
  }
}

module attributes {stable_mosaic.version = 14 : i64} {
  func.func @_tc_expand_kernel(%arg0: i32, %arg1: i32, %arg2: memref<1x1x4096xf32, #tpu.memory_space<vmem>>, %arg3: memref<1x1x1024x2048xf32, #tpu.memory_space<vmem>>, %arg4: memref<8x4224xf32, #tpu.memory_space<vmem>>, %arg5: memref<128x4096xf32, #tpu.memory_space<vmem>>) attributes {dimension_semantics = [#tpu.dimension_semantics<parallel>, #tpu.dimension_semantics<arbitrary>], iteration_bounds = array<i64: 16, 2>, scalar_prefetch = 0 : i64, scratch_operands = 2 : i64, tpu.core_type = #tpu.core_type<tc>, window_params = [{transform_indices = @transform_0, window_bounds = array<i64: 1, 1, 4096>}, {transform_indices = @transform_1, window_bounds = array<i64: 1, 1, 1024, 2048>}]} {
    %eq3A = arith.constant 0 : i32
    %eq3A_0 = arith.cmpi eq, %arg1, %eq3A : i32
    %convert_element_type3A = arith.extui %eq3A_0 : i1 to i32
    %cond3A = arith.constant 0 : i32
    %cond3A_1 = arith.cmpi ne, %convert_element_type3A, %cond3A : i32
    scf.if %cond3A_1 {
      %get3A_112 = arith.constant 0 : index
      %get3A_113 = arith.constant 0 : index
      %get3A_114 = arith.constant 0 : index
      %get3A_115 = vector.load %arg2[%get3A_112, %get3A_113, %get3A_114] : memref<1x1x4096xf32, #tpu.memory_space<vmem>>, vector<1x1x4096xf32>
      %get3A_116 = vector.shape_cast %get3A_115 : vector<1x1x4096xf32> to vector<4096xf32>
      %reshape3A = vector.shape_cast %get3A_116 : vector<4096xf32> to vector<1x4096xf32>
      %swap3A_117 = arith.constant 0 : index
      %swap3A_118 = arith.constant 0 : index
      %swap3A_119 = vector.load %arg4[%swap3A_117, %swap3A_118] : memref<8x4224xf32, #tpu.memory_space<vmem>>, vector<1x4096xf32>
      tpu.vector_store %arg4[%swap3A_117, %swap3A_118], %reshape3A {strides = array<i32>} : memref<8x4224xf32, #tpu.memory_space<vmem>>, vector<1x4096xf32>,
      %swap3A_120 = arith.constant 1 : index
      %swap3A_121 = arith.constant 1 : index
      %swap3A_122 = vector.load %arg4[%swap3A_120, %swap3A_121] : memref<8x4224xf32, #tpu.memory_space<vmem>>, vector<1x4096xf32>
      tpu.vector_store %arg4[%swap3A_120, %swap3A_121], %reshape3A {strides = array<i32>} : memref<8x4224xf32, #tpu.memory_space<vmem>>, vector<1x4096xf32>,
      %swap3A_123 = arith.constant 2 : index
      %swap3A_124 = arith.constant 2 : index
      %swap3A_125 = vector.load %arg4[%swap3A_123, %swap3A_124] : memref<8x4224xf32, #tpu.memory_space<vmem>>, vector<1x4096xf32>
      tpu.vector_store %arg4[%swap3A_123, %swap3A_124], %reshape3A {strides = array<i32>} : memref<8x4224xf32, #tpu.memory_space<vmem>>, vector<1x4096xf32>,
      %swap3A_126 = arith.constant 3 : index
      %swap3A_127 = arith.constant 3 : index
      %swap3A_128 = vector.load %arg4[%swap3A_126, %swap3A_127] : memref<8x4224xf32, #tpu.memory_space<vmem>>, vector<1x4096xf32>
      tpu.vector_store %arg4[%swap3A_126, %swap3A_127], %reshape3A {strides = array<i32>} : memref<8x4224xf32, #tpu.memory_space<vmem>>, vector<1x4096xf32>,
      %swap3A_129 = arith.constant 4 : index
      %swap3A_130 = arith.constant 4 : index
      %swap3A_131 = vector.load %arg4[%swap3A_129, %swap3A_130] : memref<8x4224xf32, #tpu.memory_space<vmem>>, vector<1x4096xf32>
      tpu.vector_store %arg4[%swap3A_129, %swap3A_130], %reshape3A {strides = array<i32>} : memref<8x4224xf32, #tpu.memory_space<vmem>>, vector<1x4096xf32>,
      %swap3A_132 = arith.constant 5 : index
      %swap3A_133 = arith.constant 5 : index
      %swap3A_134 = vector.load %arg4[%swap3A_132, %swap3A_133] : memref<8x4224xf32, #tpu.memory_space<vmem>>, vector<1x4096xf32>
      tpu.vector_store %arg4[%swap3A_132, %swap3A_133], %reshape3A {strides = array<i32>} : memref<8x4224xf32, #tpu.memory_space<vmem>>, vector<1x4096xf32>,
      %swap3A_135 = arith.constant 6 : index
      %swap3A_136 = arith.constant 6 : index
      %swap3A_137 = vector.load %arg4[%swap3A_135, %swap3A_136] : memref<8x4224xf32, #tpu.memory_space<vmem>>, vector<1x4096xf32>
      tpu.vector_store %arg4[%swap3A_135, %swap3A_136], %reshape3A {strides = array<i32>} : memref<8x4224xf32, #tpu.memory_space<vmem>>, vector<1x4096xf32>,
      %swap3A_138 = arith.constant 7 : index
      %swap3A_139 = arith.constant 7 : index
      %swap3A_140 = vector.load %arg4[%swap3A_138, %swap3A_139] : memref<8x4224xf32, #tpu.memory_space<vmem>>, vector<1x4096xf32>
      tpu.vector_store %arg4[%swap3A_138, %swap3A_139], %reshape3A {strides = array<i32>} : memref<8x4224xf32, #tpu.memory_space<vmem>>, vector<1x4096xf32>,
      %get3A_141 = arith.constant 0 : index
      %get3A_142 = arith.constant 127 : index
      %get3A_143 = vector.load %arg4[%get3A_141, %get3A_142] : memref<8x4224xf32, #tpu.memory_space<vmem>>, vector<8x4096xf32>
      %swap3A_144 = arith.constant 0 : index
      %swap3A_145 = arith.constant 0 : index
      %swap3A_146 = vector.load %arg5[%swap3A_144, %swap3A_145] : memref<128x4096xf32, #tpu.memory_space<vmem>>, vector<8x4096xf32>
      tpu.vector_store %arg5[%swap3A_144, %swap3A_145], %get3A_143 {strides = array<i32>} : memref<128x4096xf32, #tpu.memory_space<vmem>>, vector<8x4096xf32>,
      %get3A_147 = arith.constant 0 : index
      %get3A_148 = arith.constant 119 : index
      %get3A_149 = vector.load %arg4[%get3A_147, %get3A_148] : memref<8x4224xf32, #tpu.memory_space<vmem>>, vector<8x4096xf32>
      %swap3A_150 = arith.constant 8 : index
      %swap3A_151 = arith.constant 0 : index
      %swap3A_152 = vector.load %arg5[%swap3A_150, %swap3A_151] : memref<128x4096xf32, #tpu.memory_space<vmem>>, vector<8x4096xf32>
      tpu.vector_store %arg5[%swap3A_150, %swap3A_151], %get3A_149 {strides = array<i32>} : memref<128x4096xf32, #tpu.memory_space<vmem>>, vector<8x4096xf32>,
      %get3A_153 = arith.constant 0 : index
      %get3A_154 = arith.constant 111 : index
      %get3A_155 = vector.load %arg4[%get3A_153, %get3A_154] : memref<8x4224xf32, #tpu.memory_space<vmem>>, vector<8x4096xf32>
      %swap3A_156 = arith.constant 16 : index
      %swap3A_157 = arith.constant 0 : index
      %swap3A_158 = vector.load %arg5[%swap3A_156, %swap3A_157] : memref<128x4096xf32, #tpu.memory_space<vmem>>, vector<8x4096xf32>
      tpu.vector_store %arg5[%swap3A_156, %swap3A_157], %get3A_155 {strides = array<i32>} : memref<128x4096xf32, #tpu.memory_space<vmem>>, vector<8x4096xf32>,
      %get3A_159 = arith.constant 0 : index
      %get3A_160 = arith.constant 103 : index
      %get3A_161 = vector.load %arg4[%get3A_159, %get3A_160] : memref<8x4224xf32, #tpu.memory_space<vmem>>, vector<8x4096xf32>
      %swap3A_162 = arith.constant 24 : index
      %swap3A_163 = arith.constant 0 : index
      %swap3A_164 = vector.load %arg5[%swap3A_162, %swap3A_163] : memref<128x4096xf32, #tpu.memory_space<vmem>>, vector<8x4096xf32>
      tpu.vector_store %arg5[%swap3A_162, %swap3A_163], %get3A_161 {strides = array<i32>} : memref<128x4096xf32, #tpu.memory_space<vmem>>, vector<8x4096xf32>,
      %get3A_165 = arith.constant 0 : index
      %get3A_166 = arith.constant 95 : index
      %get3A_167 = vector.load %arg4[%get3A_165, %get3A_166] : memref<8x4224xf32, #tpu.memory_space<vmem>>, vector<8x4096xf32>
      %swap3A_168 = arith.constant 32 : index
      %swap3A_169 = arith.constant 0 : index
      %swap3A_170 = vector.load %arg5[%swap3A_168, %swap3A_169] : memref<128x4096xf32, #tpu.memory_space<vmem>>, vector<8x4096xf32>
      tpu.vector_store %arg5[%swap3A_168, %swap3A_169], %get3A_167 {strides = array<i32>} : memref<128x4096xf32, #tpu.memory_space<vmem>>, vector<8x4096xf32>,
      %get3A_171 = arith.constant 0 : index
      %get3A_172 = arith.constant 87 : index
      %get3A_173 = vector.load %arg4[%get3A_171, %get3A_172] : memref<8x4224xf32, #tpu.memory_space<vmem>>, vector<8x4096xf32>
      %swap3A_174 = arith.constant 40 : index
      %swap3A_175 = arith.constant 0 : index
      %swap3A_176 = vector.load %arg5[%swap3A_174, %swap3A_175] : memref<128x4096xf32, #tpu.memory_space<vmem>>, vector<8x4096xf32>
      tpu.vector_store %arg5[%swap3A_174, %swap3A_175], %get3A_173 {strides = array<i32>} : memref<128x4096xf32, #tpu.memory_space<vmem>>, vector<8x4096xf32>,
      %get3A_177 = arith.constant 0 : index
      %get3A_178 = arith.constant 79 : index
      %get3A_179 = vector.load %arg4[%get3A_177, %get3A_178] : memref<8x4224xf32, #tpu.memory_space<vmem>>, vector<8x4096xf32>
      %swap3A_180 = arith.constant 48 : index
      %swap3A_181 = arith.constant 0 : index
      %swap3A_182 = vector.load %arg5[%swap3A_180, %swap3A_181] : memref<128x4096xf32, #tpu.memory_space<vmem>>, vector<8x4096xf32>
      tpu.vector_store %arg5[%swap3A_180, %swap3A_181], %get3A_179 {strides = array<i32>} : memref<128x4096xf32, #tpu.memory_space<vmem>>, vector<8x4096xf32>,
      %get3A_183 = arith.constant 0 : index
      %get3A_184 = arith.constant 71 : index
      %get3A_185 = vector.load %arg4[%get3A_183, %get3A_184] : memref<8x4224xf32, #tpu.memory_space<vmem>>, vector<8x4096xf32>
      %swap3A_186 = arith.constant 56 : index
      %swap3A_187 = arith.constant 0 : index
      %swap3A_188 = vector.load %arg5[%swap3A_186, %swap3A_187] : memref<128x4096xf32, #tpu.memory_space<vmem>>, vector<8x4096xf32>
      tpu.vector_store %arg5[%swap3A_186, %swap3A_187], %get3A_185 {strides = array<i32>} : memref<128x4096xf32, #tpu.memory_space<vmem>>, vector<8x4096xf32>,
      %get3A_189 = arith.constant 0 : index
      %get3A_190 = arith.constant 63 : index
      %get3A_191 = vector.load %arg4[%get3A_189, %get3A_190] : memref<8x4224xf32, #tpu.memory_space<vmem>>, vector<8x4096xf32>
      %swap3A_192 = arith.constant 64 : index
      %swap3A_193 = arith.constant 0 : index
      %swap3A_194 = vector.load %arg5[%swap3A_192, %swap3A_193] : memref<128x4096xf32, #tpu.memory_space<vmem>>, vector<8x4096xf32>
      tpu.vector_store %arg5[%swap3A_192, %swap3A_193], %get3A_191 {strides = array<i32>} : memref<128x4096xf32, #tpu.memory_space<vmem>>, vector<8x4096xf32>,
      %get3A_195 = arith.constant 0 : index
      %get3A_196 = arith.constant 55 : index
      %get3A_197 = vector.load %arg4[%get3A_195, %get3A_196] : memref<8x4224xf32, #tpu.memory_space<vmem>>, vector<8x4096xf32>
      %swap3A_198 = arith.constant 72 : index
      %swap3A_199 = arith.constant 0 : index
      %swap3A_200 = vector.load %arg5[%swap3A_198, %swap3A_199] : memref<128x4096xf32, #tpu.memory_space<vmem>>, vector<8x4096xf32>
      tpu.vector_store %arg5[%swap3A_198, %swap3A_199], %get3A_197 {strides = array<i32>} : memref<128x4096xf32, #tpu.memory_space<vmem>>, vector<8x4096xf32>,
      %get3A_201 = arith.constant 0 : index
      %get3A_202 = arith.constant 47 : index
      %get3A_203 = vector.load %arg4[%get3A_201, %get3A_202] : memref<8x4224xf32, #tpu.memory_space<vmem>>, vector<8x4096xf32>
      %swap3A_204 = arith.constant 80 : index
      %swap3A_205 = arith.constant 0 : index
      %swap3A_206 = vector.load %arg5[%swap3A_204, %swap3A_205] : memref<128x4096xf32, #tpu.memory_space<vmem>>, vector<8x4096xf32>
      tpu.vector_store %arg5[%swap3A_204, %swap3A_205], %get3A_203 {strides = array<i32>} : memref<128x4096xf32, #tpu.memory_space<vmem>>, vector<8x4096xf32>,
      %get3A_207 = arith.constant 0 : index
      %get3A_208 = arith.constant 39 : index
      %get3A_209 = vector.load %arg4[%get3A_207, %get3A_208] : memref<8x4224xf32, #tpu.memory_space<vmem>>, vector<8x4096xf32>
      %swap3A_210 = arith.constant 88 : index
      %swap3A_211 = arith.constant 0 : index
      %swap3A_212 = vector.load %arg5[%swap3A_210, %swap3A_211] : memref<128x4096xf32, #tpu.memory_space<vmem>>, vector<8x4096xf32>
      tpu.vector_store %arg5[%swap3A_210, %swap3A_211], %get3A_209 {strides = array<i32>} : memref<128x4096xf32, #tpu.memory_space<vmem>>, vector<8x4096xf32>,
      %get3A_213 = arith.constant 0 : index
      %get3A_214 = arith.constant 31 : index
      %get3A_215 = vector.load %arg4[%get3A_213, %get3A_214] : memref<8x4224xf32, #tpu.memory_space<vmem>>, vector<8x4096xf32>
      %swap3A_216 = arith.constant 96 : index
      %swap3A_217 = arith.constant 0 : index
      %swap3A_218 = vector.load %arg5[%swap3A_216, %swap3A_217] : memref<128x4096xf32, #tpu.memory_space<vmem>>, vector<8x4096xf32>
      tpu.vector_store %arg5[%swap3A_216, %swap3A_217], %get3A_215 {strides = array<i32>} : memref<128x4096xf32, #tpu.memory_space<vmem>>, vector<8x4096xf32>,
      %get3A_219 = arith.constant 0 : index
      %get3A_220 = arith.constant 23 : index
      %get3A_221 = vector.load %arg4[%get3A_219, %get3A_220] : memref<8x4224xf32, #tpu.memory_space<vmem>>, vector<8x4096xf32>
      %swap3A_222 = arith.constant 104 : index
      %swap3A_223 = arith.constant 0 : index
      %swap3A_224 = vector.load %arg5[%swap3A_222, %swap3A_223] : memref<128x4096xf32, #tpu.memory_space<vmem>>, vector<8x4096xf32>
      tpu.vector_store %arg5[%swap3A_222, %swap3A_223], %get3A_221 {strides = array<i32>} : memref<128x4096xf32, #tpu.memory_space<vmem>>, vector<8x4096xf32>,
      %get3A_225 = arith.constant 0 : index
      %get3A_226 = arith.constant 15 : index
      %get3A_227 = vector.load %arg4[%get3A_225, %get3A_226] : memref<8x4224xf32, #tpu.memory_space<vmem>>, vector<8x4096xf32>
      %swap3A_228 = arith.constant 112 : index
      %swap3A_229 = arith.constant 0 : index
      %swap3A_230 = vector.load %arg5[%swap3A_228, %swap3A_229] : memref<128x4096xf32, #tpu.memory_space<vmem>>, vector<8x4096xf32>
      tpu.vector_store %arg5[%swap3A_228, %swap3A_229], %get3A_227 {strides = array<i32>} : memref<128x4096xf32, #tpu.memory_space<vmem>>, vector<8x4096xf32>,
      %get3A_231 = arith.constant 0 : index
      %get3A_232 = arith.constant 7 : index
      %get3A_233 = vector.load %arg4[%get3A_231, %get3A_232] : memref<8x4224xf32, #tpu.memory_space<vmem>>, vector<8x4096xf32>
      %swap3A_234 = arith.constant 120 : index
      %swap3A_235 = arith.constant 0 : index
      %swap3A_236 = vector.load %arg5[%swap3A_234, %swap3A_235] : memref<128x4096xf32, #tpu.memory_space<vmem>>, vector<8x4096xf32>
      tpu.vector_store %arg5[%swap3A_234, %swap3A_235], %get3A_233 {strides = array<i32>} : memref<128x4096xf32, #tpu.memory_space<vmem>>, vector<8x4096xf32>,
    } else {
    }
    %mul3A = arith.constant 1024 : i32
    %mul3A_2 = arith.muli %arg1, %mul3A : i32
    %sub3A = arith.constant 1920 : i32
    %sub3A_3 = arith.subi %sub3A, %mul3A_2 : i32
    %sub3A_4 = arith.constant 0 : i32
    %sub3A_5 = arith.subi %sub3A_3, %sub3A_4 : i32
    %get3A = arith.constant 0 : index
    %get3A_6 = arith.index_cast %sub3A_5 : i32 to index
    %get3A_7 = vector.load %arg5[%get3A, %get3A_6] : memref<128x4096xf32, #tpu.memory_space<vmem>>, vector<128x2048xf32>
    %swap3A = arith.constant 0 : index
    %swap3A_8 = arith.constant 0 : index
    %swap3A_9 = arith.constant 0 : index
    %swap3A_10 = arith.constant 0 : index
    %swap3A_11 = vector.load %arg3[%swap3A, %swap3A_8, %swap3A_9, %swap3A_10] : memref<1x1x1024x2048xf32, #tpu.memory_space<vmem>>, vector<1x1x128x2048xf32>
    %swap3A_12 = vector.shape_cast %swap3A_11 : vector<1x1x128x2048xf32> to vector<128x2048xf32>
    %swap3A_13 = vector.shape_cast %get3A_7 : vector<128x2048xf32> to vector<1x1x128x2048xf32>
    tpu.vector_store %arg3[%swap3A, %swap3A_8, %swap3A_9, %swap3A_10], %swap3A_13 {strides = array<i32>} : memref<1x1x1024x2048xf32, #tpu.memory_space<vmem>>, vector<1x1x128x2048xf32>,
    %sub3A_14 = arith.constant 1920 : i32
    %sub3A_15 = arith.subi %sub3A_14, %mul3A_2 : i32
    %sub3A_16 = arith.constant 128 : i32
    %sub3A_17 = arith.subi %sub3A_15, %sub3A_16 : i32
    %get3A_18 = arith.constant 0 : index
    %get3A_19 = arith.index_cast %sub3A_17 : i32 to index
    %get3A_20 = vector.load %arg5[%get3A_18, %get3A_19] : memref<128x4096xf32, #tpu.memory_space<vmem>>, vector<128x2048xf32>
    %swap3A_21 = arith.constant 0 : index
    %swap3A_22 = arith.constant 0 : index
    %swap3A_23 = arith.constant 128 : index
    %swap3A_24 = arith.constant 0 : index
    %swap3A_25 = vector.load %arg3[%swap3A_21, %swap3A_22, %swap3A_23, %swap3A_24] : memref<1x1x1024x2048xf32, #tpu.memory_space<vmem>>, vector<1x1x128x2048xf32>
    %swap3A_26 = vector.shape_cast %swap3A_25 : vector<1x1x128x2048xf32> to vector<128x2048xf32>
    %swap3A_27 = vector.shape_cast %get3A_20 : vector<128x2048xf32> to vector<1x1x128x2048xf32>
    tpu.vector_store %arg3[%swap3A_21, %swap3A_22, %swap3A_23, %swap3A_24], %swap3A_27 {strides = array<i32>} : memref<1x1x1024x2048xf32, #tpu.memory_space<vmem>>, vector<1x1x128x2048xf32>,
    %sub3A_28 = arith.constant 1920 : i32
    %sub3A_29 = arith.subi %sub3A_28, %mul3A_2 : i32
    %sub3A_30 = arith.constant 256 : i32
    %sub3A_31 = arith.subi %sub3A_29, %sub3A_30 : i32
    %get3A_32 = arith.constant 0 : index
    %get3A_33 = arith.index_cast %sub3A_31 : i32 to index
    %get3A_34 = vector.load %arg5[%get3A_32, %get3A_33] : memref<128x4096xf32, #tpu.memory_space<vmem>>, vector<128x2048xf32>
    %swap3A_35 = arith.constant 0 : index
    %swap3A_36 = arith.constant 0 : index
    %swap3A_37 = arith.constant 256 : index
    %swap3A_38 = arith.constant 0 : index
    %swap3A_39 = vector.load %arg3[%swap3A_35, %swap3A_36, %swap3A_37, %swap3A_38] : memref<1x1x1024x2048xf32, #tpu.memory_space<vmem>>, vector<1x1x128x2048xf32>
    %swap3A_40 = vector.shape_cast %swap3A_39 : vector<1x1x128x2048xf32> to vector<128x2048xf32>
    %swap3A_41 = vector.shape_cast %get3A_34 : vector<128x2048xf32> to vector<1x1x128x2048xf32>
    tpu.vector_store %arg3[%swap3A_35, %swap3A_36, %swap3A_37, %swap3A_38], %swap3A_41 {strides = array<i32>} : memref<1x1x1024x2048xf32, #tpu.memory_space<vmem>>, vector<1x1x128x2048xf32>,
    %sub3A_42 = arith.constant 1920 : i32
    %sub3A_43 = arith.subi %sub3A_42, %mul3A_2 : i32
    %sub3A_44 = arith.constant 384 : i32
    %sub3A_45 = arith.subi %sub3A_43, %sub3A_44 : i32
    %get3A_46 = arith.constant 0 : index
    %get3A_47 = arith.index_cast %sub3A_45 : i32 to index
    %get3A_48 = vector.load %arg5[%get3A_46, %get3A_47] : memref<128x4096xf32, #tpu.memory_space<vmem>>, vector<128x2048xf32>
    %swap3A_49 = arith.constant 0 : index
    %swap3A_50 = arith.constant 0 : index
    %swap3A_51 = arith.constant 384 : index
    %swap3A_52 = arith.constant 0 : index
    %swap3A_53 = vector.load %arg3[%swap3A_49, %swap3A_50, %swap3A_51, %swap3A_52] : memref<1x1x1024x2048xf32, #tpu.memory_space<vmem>>, vector<1x1x128x2048xf32>
    %swap3A_54 = vector.shape_cast %swap3A_53 : vector<1x1x128x2048xf32> to vector<128x2048xf32>
    %swap3A_55 = vector.shape_cast %get3A_48 : vector<128x2048xf32> to vector<1x1x128x2048xf32>
    tpu.vector_store %arg3[%swap3A_49, %swap3A_50, %swap3A_51, %swap3A_52], %swap3A_55 {strides = array<i32>} : memref<1x1x1024x2048xf32, #tpu.memory_space<vmem>>, vector<1x1x128x2048xf32>,
    %sub3A_56 = arith.constant 1920 : i32
    %sub3A_57 = arith.subi %sub3A_56, %mul3A_2 : i32
    %sub3A_58 = arith.constant 512 : i32
    %sub3A_59 = arith.subi %sub3A_57, %sub3A_58 : i32
    %get3A_60 = arith.constant 0 : index
    %get3A_61 = arith.index_cast %sub3A_59 : i32 to index
    %get3A_62 = vector.load %arg5[%get3A_60, %get3A_61] : memref<128x4096xf32, #tpu.memory_space<vmem>>, vector<128x2048xf32>
    %swap3A_63 = arith.constant 0 : index
    %swap3A_64 = arith.constant 0 : index
    %swap3A_65 = arith.constant 512 : index
    %swap3A_66 = arith.constant 0 : index
    %swap3A_67 = vector.load %arg3[%swap3A_63, %swap3A_64, %swap3A_65, %swap3A_66] : memref<1x1x1024x2048xf32, #tpu.memory_space<vmem>>, vector<1x1x128x2048xf32>
    %swap3A_68 = vector.shape_cast %swap3A_67 : vector<1x1x128x2048xf32> to vector<128x2048xf32>
    %swap3A_69 = vector.shape_cast %get3A_62 : vector<128x2048xf32> to vector<1x1x128x2048xf32>
    tpu.vector_store %arg3[%swap3A_63, %swap3A_64, %swap3A_65, %swap3A_66], %swap3A_69 {strides = array<i32>} : memref<1x1x1024x2048xf32, #tpu.memory_space<vmem>>, vector<1x1x128x2048xf32>,
    %sub3A_70 = arith.constant 1920 : i32
    %sub3A_71 = arith.subi %sub3A_70, %mul3A_2 : i32
    %sub3A_72 = arith.constant 640 : i32
    %sub3A_73 = arith.subi %sub3A_71, %sub3A_72 : i32
    %get3A_74 = arith.constant 0 : index
    %get3A_75 = arith.index_cast %sub3A_73 : i32 to index
    %get3A_76 = vector.load %arg5[%get3A_74, %get3A_75] : memref<128x4096xf32, #tpu.memory_space<vmem>>, vector<128x2048xf32>
    %swap3A_77 = arith.constant 0 : index
    %swap3A_78 = arith.constant 0 : index
    %swap3A_79 = arith.constant 640 : index
    %swap3A_80 = arith.constant 0 : index
    %swap3A_81 = vector.load %arg3[%swap3A_77, %swap3A_78, %swap3A_79, %swap3A_80] : memref<1x1x1024x2048xf32, #tpu.memory_space<vmem>>, vector<1x1x128x2048xf32>
    %swap3A_82 = vector.shape_cast %swap3A_81 : vector<1x1x128x2048xf32> to vector<128x2048xf32>
    %swap3A_83 = vector.shape_cast %get3A_76 : vector<128x2048xf32> to vector<1x1x128x2048xf32>
    tpu.vector_store %arg3[%swap3A_77, %swap3A_78, %swap3A_79, %swap3A_80], %swap3A_83 {strides = array<i32>} : memref<1x1x1024x2048xf32, #tpu.memory_space<vmem>>, vector<1x1x128x2048xf32>,
    %sub3A_84 = arith.constant 1920 : i32
    %sub3A_85 = arith.subi %sub3A_84, %mul3A_2 : i32
    %sub3A_86 = arith.constant 768 : i32
    %sub3A_87 = arith.subi %sub3A_85, %sub3A_86 : i32
    %get3A_88 = arith.constant 0 : index
    %get3A_89 = arith.index_cast %sub3A_87 : i32 to index
    %get3A_90 = vector.load %arg5[%get3A_88, %get3A_89] : memref<128x4096xf32, #tpu.memory_space<vmem>>, vector<128x2048xf32>
    %swap3A_91 = arith.constant 0 : index
    %swap3A_92 = arith.constant 0 : index
    %swap3A_93 = arith.constant 768 : index
    %swap3A_94 = arith.constant 0 : index
    %swap3A_95 = vector.load %arg3[%swap3A_91, %swap3A_92, %swap3A_93, %swap3A_94] : memref<1x1x1024x2048xf32, #tpu.memory_space<vmem>>, vector<1x1x128x2048xf32>
    %swap3A_96 = vector.shape_cast %swap3A_95 : vector<1x1x128x2048xf32> to vector<128x2048xf32>
    %swap3A_97 = vector.shape_cast %get3A_90 : vector<128x2048xf32> to vector<1x1x128x2048xf32>
    tpu.vector_store %arg3[%swap3A_91, %swap3A_92, %swap3A_93, %swap3A_94], %swap3A_97 {strides = array<i32>} : memref<1x1x1024x2048xf32, #tpu.memory_space<vmem>>, vector<1x1x128x2048xf32>,
    %sub3A_98 = arith.constant 1920 : i32
    %sub3A_99 = arith.subi %sub3A_98, %mul3A_2 : i32
    %sub3A_100 = arith.constant 896 : i32
    %sub3A_101 = arith.subi %sub3A_99, %sub3A_100 : i32
    %get3A_102 = arith.constant 0 : index
    %get3A_103 = arith.index_cast %sub3A_101 : i32 to index
    %get3A_104 = vector.load %arg5[%get3A_102, %get3A_103] : memref<128x4096xf32, #tpu.memory_space<vmem>>, vector<128x2048xf32>
    %swap3A_105 = arith.constant 0 : index
    %swap3A_106 = arith.constant 0 : index
    %swap3A_107 = arith.constant 896 : index
    %swap3A_108 = arith.constant 0 : index
    %swap3A_109 = vector.load %arg3[%swap3A_105, %swap3A_106, %swap3A_107, %swap3A_108] : memref<1x1x1024x2048xf32, #tpu.memory_space<vmem>>, vector<1x1x128x2048xf32>
    %swap3A_110 = vector.shape_cast %swap3A_109 : vector<1x1x128x2048xf32> to vector<128x2048xf32>
    %swap3A_111 = vector.shape_cast %get3A_104 : vector<128x2048xf32> to vector<1x1x128x2048xf32>
    tpu.vector_store %arg3[%swap3A_105, %swap3A_106, %swap3A_107, %swap3A_108], %swap3A_111 {strides = array<i32>} : memref<1x1x1024x2048xf32, #tpu.memory_space<vmem>>, vector<1x1x128x2048xf32>,
    return
  }
  func.func @transform_0(%arg0: i32, %arg1: i32) -> (i32, i32, i32) {
    %c0_i32 = arith.constant 0 : i32
    %c0_i32_0 = arith.constant 0 : i32
    %c0_i32_1 = arith.constant 0 : i32
    return %arg0, %c0_i32, %c0_i32_0 : i32, i32, i32
  }
  func.func @transform_1(%arg0: i32, %arg1: i32) -> (i32, i32, i32, i32) {
    %c0_i32 = arith.constant 0 : i32
    %c0_i32_0 = arith.constant 0 : i32
    %c0_i32_1 = arith.constant 0 : i32
    return %c0_i32, %arg0, %arg1, %c0_i32_0 : i32, i32, i32, i32
  }
}

</mosaic_0001>

<sc_bundles>
// kernel: kernel.4.cloned.1.call-start
scs
__scs_entry_jumppad:
0x0: {  	(pc) =	sbr.rel $0x88, $3  }
0x1: {  	(tag) =	ssettag $0x0;
	lr =	simm.s32 $0x1  }
0x2: {  	[smem:$0x3F9E] =	sst lr;
	_ =	strace $0xD0000000  }
0x3: {  	_ = 	snop  }
0x4: {  	_ = 	snop  }
0x5: {  	_ = 	snop  }
0x6: {  	_ = 	snop  }
0x7: {  	_ = 	snop  }
__scs_overlays_trampoline_lowered:
0x8: {  	[smem:$0x3FAD] =	sst s0  }
0x9: {  	[smem:$0x3FAE] =	sst s1  }
0xa: {  	[smem:$0x3FAF] =	sst s2  }
0xb: {  	[smem:$0x3FB0] =	sst s3  }
0xc: {  	[smem:$0x3FB1] =	sst s4  }
0xd: {  	[smem:$0x3FB2] =	sst s5  }
0xe: {  	[smem:$0x3FB3] =	sst s6  }
0xf: {  	[smem:$0x3FB4] =	sst s7  }
0x10: {  	[smem:$0x3FB5] =	sst s8  }
0x11: {  	[smem:$0x3FB6] =	sst s9;
	s0 =	simm.s32 @!p0 $0x0  }
0x12: {  	s1 =	sld [smem:$0x3F9C];
	s0 =	simm.s32 @p0 $0x1  }
0x13: {  	[smem:$0x3FB7] =	sst s0;
	s0 =	simm.s32 @!p1 $0x0  }
0x14: {  	s2 =	sld [smem:$0x3F9B];
	s0 =	simm.s32 @p1 $0x1  }
0x15: {  	[smem:$0x3FB8] =	sst s0;
	s0 =	simm.s32 @!p2 $0x0  }
0x16: {  	s3 =	sld [smem:$0x3FDB];
	s0 =	simm.s32 @p2 $0x1  }
0x17: {  	s4 =	simm.s32 $0x1BF5;
	[smem:$0x3FBA] =	sst s0  }
0x18: {  	s0 =	sld [smem:$0x3F9D];
	_ =	swait.ge [sflag:s4], $0x0  }
0x19: {  	s7 =	sld [smem:$0x3F9E]  }
0x1a: {  	s8 =	sadd.s32 $0xFFFFE003, lr  }
0x1b: {  	s9 =	sadd.s32 $0xFFFFFEF7, lr;
	s5 =	simm.s32 $0xFFFFFFFF;
	p2 =	slt.u32 s8, $0xFFFFF086  }
0x1c: {  	p1 =	slt.u32 s9, $0xF7A;
	s5 =	simm.s32 @!p2 $0x0  }
0x1d: {  	s5 =	simm.s32 @p1 $0x1;
	p0 =	seq.s32 s7, s2  }
0x1e: {  	s7 =	smul.u32 @!p0 $0xF7A, s2;
	p2 =	seq.s32 @!p0 s5, $0x0  }
0x1f: {  	s9 =	smul.u32 $0xF7A, s1;
	s8 =	simm.s32 @!p0 $0x1BF5;
	p2 =	por !p2, p0  }
0x20: {  	[sflag:s8] =	ssyncset.s32 @!p0 $0xFFFFF086;
	s6 =	sadd.s32 @!p0 s3, s7;
	s7 =	simm.s32 @!p0 $0x108  }
0x21: {  	s3 =	sadd.s32 s3, s9;
	s6 =	sadd.s32 @!p0 $0x88, s6;
	s7 =	simm.s32 @p2 $0x1082  }
0x22: {  	[simem:s7], [sflag:s8] =	dma.local @!p0 [hbm:s6], $0xF7A  }
0x23: {  	s9 =	sor.u32 $0xD0000000, s2;
	s6 =	simm.s32 $0x108;
	_ =	swait.ge @!p0 [sflag:s8], $0x0  }
0x24: {  	s3 =	sadd.s32 $0x88, s3;
	s6 =	simm.s32 @!p1 $0x1082;
	[sflag:s4] =	ssyncset.s32 $0xFFFFF086  }
0x25: {  	[simem:s6], [sflag:s4] =	dma.local [hbm:s3], $0xF7A  }
0x26: {  	[smem:$0x3F9E] =	sst s1;
	(tag) =	ssettag s2;
	_ =	strace s9  }
0x27: {  	s1 =	sld [smem:$0x3FAE]  }
0x28: {  	s2 =	sld [smem:$0x3FAF]  }
0x29: {  	s4 =	sld [smem:$0x3FB1]  }
0x2a: {  	p0 =	seq.s32 s5, $0x0;
	s5 =	sld [smem:$0x3FB2]  }
0x2b: {  	s6 =	sld [smem:$0x3FB3]  }
0x2c: {  	s7 =	sld [smem:$0x3FB4]  }
0x2d: {  	s3 =	simm.s32 $0x108;
	s8 =	sld [smem:$0x3FB5]  }
0x2e: {  	s3 =	simm.s32 @!p0 $0x1082;
	s9 =	sld [smem:$0x3FB6]  }
0x2f: {  	lr =	sadd.s32 s0, s3;
	s0 =	sld [smem:$0x3FAD]  }
0x30: {  	s3 =	sld [smem:$0x3FB0]  }
0x31: {  	[smem:$0x3FB9] =	sst s10  }
0x32: {  	s10 =	sld [smem:$0x3FB7];
	_ =	sdelay $0x3  }
0x33: {  	p0 =	seq.s32 s10, $0x1;
	s10 =	sld [smem:$0x3FB9];
	_ =	sdelay $0x3  }
0x34: {  	[smem:$0x3FB9] =	sst s10  }
0x35: {  	s10 =	sld [smem:$0x3FB8];
	_ =	sdelay $0x3  }
0x36: {  	p1 =	seq.s32 s10, $0x1;
	s10 =	sld [smem:$0x3FB9];
	_ =	sdelay $0x3  }
0x37: {  	[smem:$0x3FB9] =	sst s10  }
0x38: {  	s10 =	sld [smem:$0x3FBA]  }
0x39: {  	_ = 	snop;
	(pc) =	sbr.ind lr, $3  }
0x3a: {  	_ = 	snop  }
0x3b: {  	_ = 	snop  }
0x3c: {  	p2 =	seq.s32 s10, $0x1;
	s10 =	sld [smem:$0x3FB9]  }
0x3d: {  	_ =	shalt  }
0x3e: {  	_ =	shalt  }
0x3f: {  	_ =	shalt  }
0x40: {  	_ =	shalt  }
0x41: {  	_ =	shalt  }
0x42: {  	_ =	shalt  }
0x43: {  	_ =	shalt  }
0x44: {  	_ =	shalt  }
0x45: {  	_ =	shalt  }
0x46: {  	_ =	shalt  }
0x47: {  	_ =	shalt  }
0x48: {  	_ =	shalt  }
0x49: {  	_ =	shalt  }
0x4a: {  	_ =	shalt  }
0x4b: {  	_ =	shalt  }
0x4c: {  	_ =	shalt  }
0x4d: {  	_ =	shalt  }
0x4e: {  	_ =	shalt  }
0x4f: {  	_ =	shalt  }
0x50: {  	_ =	shalt  }
0x51: {  	_ =	shalt  }
0x52: {  	_ =	shalt  }
0x53: {  	_ =	shalt  }
0x54: {  	_ =	shalt  }
0x55: {  	_ =	shalt  }
0x56: {  	_ =	shalt  }
0x57: {  	_ =	shalt  }
0x58: {  	_ =	shalt  }
0x59: {  	_ =	shalt  }
0x5a: {  	_ =	shalt  }
0x5b: {  	_ =	shalt  }
0x5c: {  	_ =	shalt  }
0x5d: {  	_ =	shalt  }
0x5e: {  	_ =	shalt  }
0x5f: {  	_ =	shalt  }
0x60: {  	_ =	shalt  }
0x61: {  	_ =	shalt  }
0x62: {  	_ =	shalt  }
0x63: {  	_ =	shalt  }
0x64: {  	_ =	shalt  }
0x65: {  	_ =	shalt  }
0x66: {  	_ =	shalt  }
0x67: {  	_ =	shalt  }
0x68: {  	_ =	shalt  }
0x69: {  	_ =	shalt  }
0x6a: {  	_ =	shalt  }
0x6b: {  	_ =	shalt  }
0x6c: {  	_ =	shalt  }
0x6d: {  	_ =	shalt  }
0x6e: {  	_ =	shalt  }
0x6f: {  	_ =	shalt  }
0x70: {  	_ =	shalt  }
0x71: {  	_ =	shalt  }
0x72: {  	_ =	shalt  }
0x73: {  	_ =	shalt  }
0x74: {  	_ =	shalt  }
0x75: {  	_ =	shalt  }
0x76: {  	_ =	shalt  }
0x77: {  	_ =	shalt  }
0x78: {  	_ =	shalt  }
0x79: {  	_ =	shalt  }
0x7a: {  	_ =	shalt  }
0x7b: {  	_ =	shalt  }
0x7c: {  	_ =	shalt  }
0x7d: {  	_ =	shalt  }
0x7e: {  	_ =	shalt  }
0x7f: {  	_ =	shalt  }
0x80: {  	_ =	shalt  }
0x81: {  	_ =	shalt  }
0x82: {  	_ =	shalt  }
0x83: {  	_ =	shalt  }
0x84: {  	_ =	shalt  }
0x85: {  	_ =	shalt  }
0x86: {  	_ =	shalt  }
0x87: {  	_ =	shalt  }
.Lfunc_end0:
.L_simem_size_0:
called_computation_lowered:
.L_overlay_start_0:
0x88: {  	s2 =	sld [smem:$0x3FD9]  }
0x89: {  	s3 =	sld [smem:$0x3FFE];
	_ =	sdelay $0x1  }
0x8a: {  	s1 =	srdreg.scid  }
0x8b: {  	s0 =	sand.u32 $0x1, s1  }
0x8c: {  	s17 =	sshll.u32 s0, $0xA;
	s2 =	sadd.s32 s3, s2  }
0x8d: {  	s2 =	sadd.s32 s2, s17  }
0x8e: {  	[smem:$0x3FC5] =	sst s2  }
0x8f: {  	_ = 	snop  }
0x90: {  	s2 =	sld [smem:$0x3FC9]  }
0x91: {  	s18 =	sld [smem:$0x3FD0];
	(tm) =	ssettm $0x1  }
0x92: {  	s4 =	sld [smem:$0x3FFB];
	_ =	sdelay $0x3  }
0x93: {  	_ =	strace s4  }
0x94: {  	s4 =	sld [smem:$0x3FFC];
	_ =	sdelay $0x3  }
0x95: {  	_ =	strace s4  }
0x96: {  	s4 =	sld [smem:$0x3FFD];
	_ =	sdelay $0x3  }
0x97: {  	_ =	strace s4  }
0x98: {  	_ =	strace $0x8FFFFFFF  }
0x99: {  	s19 =	sld [smem:$0x3FDB];
	_ =	sdelay $0x1  }
0x9a: {  	s5 =	simm.s32 $_scs_section_size  }
0x9b: {  	s6 =	simm.s32 $_size__tile_overlayer_lowered;
	s7 =	simm.s32 $_tile_overlayer_lowered  }
0x9c: {  	s22 =	simm.s32 $0x1BFF;
	s21 =	sshll.u32 s7, $0x1;
	s4 =	sadd.s32 s5, s19  }
0x9d: {  	s8 =	simm.s32 $0x0;
	s20 =	sshll.u32 s6, $0x1;
	s6 =	sadd.s32 s21, s4  }
0x9e: {  	[timem:s8], [sflag:s22] =	dma.local [hbm:s6], s20  }
0x9f: {  	_ =	swait.ge [sflag:s22], s20  }
0xa0: {  	s5 =	ssub.s32 $0x0, s20;
	[sflag:s22] =	ssyncset.done $0x0  }
0xa1: {  	[sflag:s22] =	ssyncadd.s32 s5;
	_ =	sdelay $0x1  }
0xa2: {  	s23 =	simm.s32 $0x1B8B  }
0xa3: {  	_ =	swait.ge [sflag:s23], $0x1  }
0xa4: {  	[sflag:s23] =	ssyncset.done $0x0  }
0xa5: {  	s25 =	simm.s32 $0x1B8E;
	s24 =	sld [smem:$0x3FFE];
	[sflag:s23] =	ssyncadd.s32 $0xFFFFFFFF  }
0xa6: {  	s26 =	simm.s32 $execute0_lowered;
	[smem:$0x3FD2] =	sst s25  }
0xa7: {  	s6 =	sshll.u32 s26, $0x1;
	_ =	strace $0x80000046;
	[dreg:$0x1] =	wrdreg $0xFFFFFFFF  }
0xa8: {  	s28 =	simm.s32 $_size_execute0_lowered;
	s4 =	sadd.s32 s4, s6;
	[dreg:$0x0] =	wrdreg $0x0  }
0xa9: {  	s6 =	sshll.u32 s28, $0x1;
	[dreg:$0x2] =	wrdreg s4  }
0xaa: {  	[dreg:$0x3] =	wrdreg s6  }
0xab: {  	[dreg:$0x4] =	wrdreg $0xC0  }
0xac: {  	_ =	task [dreg:s8], $0x5FFFF  }
0xad: {  	[dreg:$0x1] =	wrdreg $0xFFFFFFFF  }
0xae: {  	[dreg:$0x0] =	wrdreg $0x60  }
0xaf: {  	[dreg:$0x2] =	wrdreg s2  }
0xb0: {  	[dreg:$0x3] =	wrdreg s24  }
0xb1: {  	[dreg:$0x4] =	wrdreg s18  }
0xb2: {  	[dreg:$0x5] =	wrdreg $0x9  }
0xb3: {  	_ =	task.clear_ibuf [dreg:s8], $0x6FFFF;
	_ =	strace $0x90000046  }
0xb4: {  	s29 =	simm.s32 $0x9;
	_ =	strace $0x80000048  }
0xb5: {  	_ =	swait.ge [sflag:s29], $0x1  }
0xb6: {  	[sflag:s29] =	ssyncadd.s32 $0xFFFFFFFF  }
0xb7: {  	_ =	strace $0x90000048  }
0xb8: {  	_ =	sfence  }
0xb9: {  	s30 =	sld [smem:$0x0];
	_ =	sdelay $0x2  }
0xba: {  	s31 =	sshll.u32 s1, $0xD;
	s1 =	sshrl.u32 s1, $0x2  }
0xbb: {  	s3 =	sand.u32 $0x4000, s31;
	s1 =	sadd.s32 s1, s30  }
0xbc: {  	s0 =	sor.u32 s3, s0;
	s1 =	sshll.u32 s1, $0x11  }
0xbd: {  	s0 =	sor.u32 s1, s0  }
0xbe: {  	s0 =	sadd.s32 $0x8F2B, s0  }
0xbf: {  	[sflag:s0] =	ssyncadd.remote.s32 $0x1  }
0xc0: {  	_ =	sfence.sel $0xFFFF  }
0xc1: {  	[dreg:$0x0] =	wrdreg $0xFFFFFFFF;
	(pc) =	sbr.abs _section_cstart, $3  }
0xc2: {  	[dreg:$0x1] =	wrdreg $0xFFFFFFFF  }
0xc3: {  	_ =	task.clear_ibuf [dreg:s8], $0x2FFFF;
	_ =	strace $0x9FFFFFFF  }
0xc4: {  	(tm) =	ssettm $0x7FFFFFFF  }
0xc5: {  	_ =	shalt  }
tec
execute0_lowered:
.L_overlay_start_1:
0x0: {  	(tag) =	ssettag $0x1  }
0x1: {  	s4 =	rddreg [dreg:$0x0]  }
0x2: {  	s3 =	rddreg [dreg:$0x1]  }
0x3: {  	s6 =	rddreg [dreg:$0x2]  }
0x4: {  	s0 =	rddreg [dreg:$0x3]  }
0x5: {  	s2 =	simm.s32 $0x0;
	s5 =	srdreg.scid;
	s1 =	stileid.u32  }
0x6: {  	s12 =	simm.s32 $0x0;
	[smem:$0x7FF] =	sst s2;
	s5 =	sand.u32 $0x1, s5  }
0x7: {  	s3 =	sadd.s32 $0x400, s3;
	s8 =	sshrl.u32 s1, $0x3;
	s9 =	sshll.u32 s1, $0x7  }
0x8: {  	_ =	strace $0x80000047;
	s7 =	ssub.s32 $0x2, s5;
	s10 =	sshll.u32 s8, $0xF  }
0x9: {  	s11 =	sshll.u32 s5, $0xE;
	s9 =	sand.u32 $0x380, s9;
	s8 =	sshll.u32 s8, $0xA  }
0xa: {  	s5 =	sshll.u32 s5, $0xB;
	s10 =	sor.u32 s11, s10;
	s31 =	sshrl.u32 s7, $0x1  }
0xb: {  	s8 =	sor.u32 s9, s8;
	s11 =	simm.s32 $0x100;
	s9 =	sor.u32 s9, s10  }
0xc: {  	s7 =	ssub.s32 s7, s31;
	s8 =	sshrl.u32 s8, $0x3;
	s10 =	simm.s32 $0x400  }
0xd: {  	v0 =	vlaneseq.u32;
	s9 =	sshrl.u32 s9, $0x3;
	s4 =	sadd.s32 s4, s8;
	s7 =	smax.u32 s7, $0x1  }
0xe: {  	v1 =	vimm.s32 $0x0;
	v0 =	vadd.s32 $0xFFFFF801, v0;
	s8 =	simm.s32 $0x1;
	s6 =	sadd.s32 s6, s9;
	s9 =	simm.s32 $0x80  }
.LBB2_1:
0xf: {  	[tilespmem:s2], [sflag:$0x1] =	stream.linear.gather [hbm4b:s4+s2], $0x80, $0x38;
	[tilespmem:$0x900] =	vst v63  }
0x10: {  	_ =	swait.ge [sflag:s8], $0x80  }
0x11: {  	[sflag:s8] =	ssyncset.done $0x0  }
0x12: {  	[sflag:s8] =	ssyncadd.s32 $0xFFFFFF80  }
0x13: {  	[tilespmem:s9], [sflag:$0x1] =	stream.linear.gather [hbm4b:s3+s2], $0x80, $0x38;
	[tilespmem:$0x900] =	vst v63  }
0x14: {  	_ =	swait.ge [sflag:s8], $0x80  }
0x15: {  	[sflag:s8] =	ssyncset.done $0x0  }
0x16: {  	[sflag:s8] =	ssyncadd.s32 $0xFFFFFF80  }
0x17: {  	v2 =	vld [tilespmem:$0x80];
	_ =	sdelay $0x3  }
0x18: {  	s13 =	sadd.s32 $0x0, s5  }
0x19: {  	s14 =	sadd.s32 $0x10, s13;
	s15 =	sadd.s32 $0x30, s13;
	v4 =	vadd.s32 v0, v2;
	v2 =	vmov s13  }
0x1a: {  	v3 =	vmov s15;
	s13 =	sadd.s32 $0x20, s13;
	v5 =	vadd.s32 v2, v4;
	v2 =	vmov s14  }
0x1b: {  	v8 =	vadd.s32 v3, v4;
	v7 =	vadd.s32 v2, v4;
	v2 =	vmov s13  }
0x1c: {  	v9 =	vsub.s32 $0x0, v5;
	vm6 =	vlt.s32 v1, v8;
	v3 =	vsub.s32 $0x0, v7  }
0x1d: {  	v6 =	vadd.s32 v2, v4;
	v2 =	vsub.s32 $0x0, v8;
	v9 =	vmin.u32 v5, v9  }
0x1e: {  	v10 =	vsub.s32 $0x0, v6;
	v11 =	vmin.u32 v8, v2;
	v12 =	vmin.u32 v7, v3  }
0x1f: {  	vm4 =	vlt.s32 v9, $0x7;
	vm5 =	vgt.s32 v9, $0xA;
	vm0 =	vlt.s32 v11, $0x7  }
0x20: {  	vm1 =	vgt.s32 v11, $0xA;
	v10 =	vmin.u32 v6, v10;
	v38 =	vnsel vm4, $0x7, v9  }
0x21: {  	v39 =	vsel vm5, $0x1, v1;
	v2 =	vnsel vm0, $0x7, v11;
	v3 =	vsel vm1, $0x1, v1  }
0x22: {  	vm0 =	vgt.s32 v11, $0xE;
	vm1 =	vgt.s32 v12, $0xA;
	vm2 =	vlt.s32 v10, $0x7  }
0x23: {  	vm3 =	vgt.s32 v10, $0xA;
	v2 =	vadd.s32 v3, v2;
	v3 =	vsel vm0, $0x1, v1  }
0x24: {  	vm0 =	vgt.s32 v11, $0x14;
	v37 =	vsel vm1, $0x1, v1;
	v15 =	vnsel vm2, $0x7, v10  }
0x25: {  	v16 =	vsel vm3, $0x1, v1;
	vm1 =	vgt.s32 v10, $0xE;
	vm2 =	vgt.s32 v9, $0xE  }
0x26: {  	v2 =	vadd.s32 v3, v2;
	v3 =	vsel vm0, $0x1, v1;
	vm0 =	vgt.s32 v11, $0x1D  }
0x27: {  	v15 =	vadd.s32 v16, v15;
	v41 =	vsel vm1, $0x1, v1;
	v42 =	vsel vm2, $0x1, v1  }
0x28: {  	vm1 =	vgt.s32 v10, $0x14;
	vm2 =	vgt.s32 v9, $0x14;
	v3 =	vadd.s32 v3, v2  }
0x29: {  	v13 =	vsel vm0, $0x1, v1;
	vm0 =	vgt.s32 v11, $0x2B;
	v15 =	vadd.s32 v41, v15  }
0x2a: {  	v44 =	vsel vm1, $0x1, v1;
	v45 =	vsel vm2, $0x1, v1;
	vm1 =	vgt.s32 v10, $0x1D  }
0x2b: {  	vm2 =	vgt.s32 v9, $0x1D;
	v13 =	vadd.s32 v13, v3;
	v14 =	vsel vm0, $0x1, v1  }
0x2c: {  	vm0 =	vgt.s32 v11, $0x3D;
	v15 =	vadd.s32 v44, v15;
	v47 =	vsel vm1, $0x1, v1  }
0x2d: {  	v48 =	vsel vm2, $0x1, v1;
	vm1 =	vgt.s32 v10, $0x2B;
	vm2 =	vgt.s32 v9, $0x2B  }
0x2e: {  	v13 =	vadd.s32 v14, v13;
	v33 =	vsel vm0, $0x1, v1;
	vm0 =	vgt.s32 v11, $0x59  }
0x2f: {  	v15 =	vadd.s32 v47, v15;
	v50 =	vsel vm1, $0x1, v1;
	v51 =	vsel vm2, $0x1, v1  }
0x30: {  	vm1 =	vgt.s32 v10, $0x3D;
	vm2 =	vgt.s32 v9, $0x3D;
	v13 =	vadd.s32 v33, v13  }
0x31: {  	v34 =	vsel vm0, $0x1, v1;
	vm0 =	vgt.s32 v11, $0x7F;
	v15 =	vadd.s32 v50, v15  }
0x32: {  	v53 =	vsel vm1, $0x1, v1;
	v54 =	vsel vm2, $0x1, v1;
	vm1 =	vgt.s32 v10, $0x59  }
0x33: {  	vm2 =	vgt.s32 v9, $0x59;
	v11 =	vadd.s32 v34, v13;
	v35 =	vsel vm0, $0x1, v1  }
0x34: {  	vm0 =	vlt.s32 v12, $0x7;
	v13 =	vadd.s32 v39, v38;
	v15 =	vadd.s32 v53, v15  }
0x35: {  	v2 =	vld [tilespmem:$0x0];
	v56 =	vsel vm1, $0x1, v1;
	v57 =	vsel vm2, $0x1, v1;
	vm1 =	vgt.s32 v10, $0x7F  }
0x36: {  	v3 =	vld [tilespmem:$0x10];
	vm2 =	vgt.s32 v9, $0x7F;
	v11 =	vadd.s32 v35, v11;
	v8 =	vnsel vm0, $0x7, v12  }
0x37: {  	vm0 =	vgt.s32 v12, $0xE;
	v13 =	vadd.s32 v42, v13;
	v9 =	vadd.s32 v56, v15  }
0x38: {  	v59 =	vsel vm1, $0x1, v1;
	v60 =	vsel vm2, $0x1, v1;
	vm1 =	vlt.s32 v1, v7  }
0x39: {  	vm2 =	vlt.s32 v1, v6;
	v11 =	vand.u32 $0xF, v11;
	v8 =	vadd.s32 v37, v8  }
0x3a: {  	v40 =	vsel vm0, $0x1, v1;
	vm0 =	vgt.s32 v12, $0x14;
	v13 =	vadd.s32 v45, v13  }
0x3b: {  	v9 =	vadd.s32 v59, v9;
	v36 =	vperm.xlane v2, v11;
	v11 =	vperm.xlane v3, v11  }
0x3c: {  	v8 =	vadd.s32 v40, v8;
	v43 =	vsel vm0, $0x1, v1;
	vm0 =	vgt.s32 v12, $0x1D  }
0x3d: {  	v13 =	vadd.s32 v48, v13;
	v9 =	vand.u32 $0xF, v9;
	v8 =	vadd.s32 v43, v8  }
0x3e: {  	v46 =	vsel vm0, $0x1, v1;
	vm0 =	vgt.s32 v12, $0x2B;
	v13 =	vadd.s32 v51, v13  }
0x3f: {  	v8 =	vadd.s32 v46, v8;
	v49 =	vsel vm0, $0x1, v1;
	vm0 =	vgt.s32 v12, $0x3D  }
0x40: {  	v8 =	vadd.s32 v49, v8;
	v52 =	vsel vm0, $0x1, v1;
	vm0 =	vgt.s32 v12, $0x59  }
0x41: {  	v8 =	vadd.s32 v52, v8;
	v55 =	vsel vm0, $0x1, v1;
	vm0 =	vgt.s32 v12, $0x7F  }
0x42: {  	v13 =	vadd.s32 v54, v13;
	v8 =	vadd.s32 v55, v8;
	v58 =	vsel vm0, $0x1, v1  }
0x43: {  	v7 =	vperm.xlane v2, v9;
	v10 =	vadd.s32 v57, v13;
	v8 =	vadd.s32 v58, v8  }
0x44: {  	v63 =	vperm.xlane v3, v9;
	v10 =	vadd.s32 v60, v10;
	v8 =	vand.u32 $0xF, v8  }
0x45: {  	v10 =	vand.u32 $0xF, v10;
	v61 =	vperm.xlane v2, v8;
	v62 =	vperm.xlane v3, v8  }
0x46: {  	s13 =	simm.s32 $0x120;
	v11 =	vsel vm6, v11, v36;
	v9 =	vperm.xlane v3, v10;
	v8 =	vperm.xlane v2, v10  }
0x47: {  	s15 =	sadd.s32 $0x40, s5;
	s14 =	simm.s32 $0x80;
	[tilespmem:s13+$0x10] =	vst v11;
	v6 =	vsel vm2, v63, v7;
	vm0 =	vlt.s32 v1, v5;
	v5 =	vsel vm1, v62, v61  }
.LBB2_2:
0x48: {  	p0 =	sne.s32 s14, $0x7C0;
	v7 =	vmov s15;
	s16 =	sadd.s32 $0x10, s15;
	s17 =	sadd.s32 $0x30, s15;
	v8 =	vsel vm0, v9, v8;
	[tilespmem:s13+$0xFFFFFFF0] =	vst v5  }
0x49: {  	s15 =	sadd.s32 $0x20, s15;
	v5 =	vadd.s32 v7, v4;
	v7 =	vmov s16;
	v9 =	vmov s17;
	[tilespmem:s13+$0x0] =	vst v6  }
0x4a: {  	v6 =	vadd.s32 v7, v4;
	v7 =	vmov s15;
	v9 =	vadd.s32 v9, v4;
	[tilespmem:s13+$0xFFFFFFE0] =	vst v8  }
0x4b: {  	v8 =	vsub.s32 $0x0, v6;
	v7 =	vadd.s32 v7, v4;
	v10 =	vsub.s32 $0x0, v9  }
0x4c: {  	v11 =	vsub.s32 $0x0, v5;
	v12 =	vsub.s32 $0x0, v7;
	v10 =	vmin.u32 v9, v10  }
0x4d: {  	v8 =	vmin.u32 v6, v8;
	vm0 =	vlt.s32 v10, $0x7;
	vm1 =	vgt.s32 v10, $0xA  }
0x4e: {  	v13 =	vnsel vm0, $0x7, v10;
	v14 =	vsel vm1, $0x1, v1;
	vm0 =	vgt.s32 v10, $0xE  }
0x4f: {  	v13 =	vadd.s32 v14, v13;
	v14 =	vsel vm0, $0x1, v1;
	vm0 =	vgt.s32 v10, $0x14  }
0x50: {  	v13 =	vadd.s32 v14, v13;
	v14 =	vsel vm0, $0x1, v1;
	vm0 =	vgt.s32 v10, $0x1D  }
0x51: {  	v13 =	vadd.s32 v14, v13;
	v14 =	vsel vm0, $0x1, v1;
	vm0 =	vgt.s32 v10, $0x2B  }
0x52: {  	v13 =	vadd.s32 v14, v13;
	v14 =	vsel vm0, $0x1, v1;
	vm0 =	vgt.s32 v10, $0x3D  }
0x53: {  	v13 =	vadd.s32 v14, v13;
	v14 =	vsel vm0, $0x1, v1;
	vm0 =	vgt.s32 v10, $0x59  }
0x54: {  	v13 =	vadd.s32 v14, v13;
	v14 =	vsel vm0, $0x1, v1;
	vm0 =	vgt.s32 v10, $0x7F  }
0x55: {  	v10 =	vmin.u32 v7, v12;
	v12 =	vadd.s32 v14, v13;
	v13 =	vsel vm0, $0x1, v1  }
0x56: {  	v11 =	vmin.u32 v5, v11;
	vm0 =	vlt.s32 v8, $0x7;
	v12 =	vadd.s32 v13, v12  }
0x57: {  	vm1 =	vgt.s32 v8, $0xA;
	vm2 =	vlt.s32 v10, $0x7;
	v12 =	vand.u32 $0xF, v12  }
0x58: {  	vm3 =	vgt.s32 v10, $0xA;
	v13 =	vperm.xlane v2, v12;
	v12 =	vperm.xlane v3, v12  }
0x59: {  	vm6 =	vlt.s32 v1, v9;
	vm4 =	vlt.s32 v11, $0x7;
	vm5 =	vgt.s32 v11, $0xA  }
0x5a: {  	s13 =	sadd.s32 $0x40, s13;
	v14 =	vsel vm1, $0x1, v1;
	v9 =	vnsel vm0, $0x7, v8;
	v12 =	vsel vm6, v12, v13  }
0x5b: {  	v15 =	vnsel vm2, $0x7, v10;
	v16 =	vsel vm3, $0x1, v1;
	v13 =	vnsel vm4, $0x7, v11;
	[tilespmem:s13+$0x10] =	vst v12  }
0x5c: {  	vm1 =	vgt.s32 v10, $0xE;
	vm0 =	vgt.s32 v8, $0xE;
	v12 =	vsel vm5, $0x1, v1  }
0x5d: {  	vm2 =	vgt.s32 v11, $0xE;
	v9 =	vadd.s32 v14, v9;
	v14 =	vadd.s32 v16, v15  }
0x5e: {  	v15 =	vsel vm1, $0x1, v1;
	v12 =	vadd.s32 v12, v13;
	v13 =	vsel vm0, $0x1, v1  }
0x5f: {  	v16 =	vsel vm2, $0x1, v1;
	vm1 =	vgt.s32 v10, $0x14;
	vm0 =	vgt.s32 v8, $0x14  }
0x60: {  	vm2 =	vgt.s32 v11, $0x14;
	v9 =	vadd.s32 v13, v9;
	v13 =	vadd.s32 v15, v14  }
0x61: {  	v12 =	vadd.s32 v16, v12;
	v14 =	vsel vm0, $0x1, v1;
	v15 =	vsel vm1, $0x1, v1  }
0x62: {  	v16 =	vsel vm2, $0x1, v1;
	vm0 =	vgt.s32 v8, $0x1D;
	vm1 =	vgt.s32 v10, $0x1D  }
0x63: {  	vm2 =	vgt.s32 v11, $0x1D;
	v9 =	vadd.s32 v14, v9;
	v13 =	vadd.s32 v15, v13  }
0x64: {  	v12 =	vadd.s32 v16, v12;
	v14 =	vsel vm0, $0x1, v1;
	v15 =	vsel vm1, $0x1, v1  }
0x65: {  	v16 =	vsel vm2, $0x1, v1;
	vm0 =	vgt.s32 v8, $0x2B;
	vm1 =	vgt.s32 v10, $0x2B  }
0x66: {  	vm2 =	vgt.s32 v11, $0x2B;
	v9 =	vadd.s32 v14, v9;
	v13 =	vadd.s32 v15, v13  }
0x67: {  	v12 =	vadd.s32 v16, v12;
	v14 =	vsel vm0, $0x1, v1;
	v15 =	vsel vm1, $0x1, v1  }
0x68: {  	v16 =	vsel vm2, $0x1, v1;
	vm0 =	vgt.s32 v8, $0x3D;
	vm1 =	vgt.s32 v10, $0x3D  }
0x69: {  	vm2 =	vgt.s32 v11, $0x3D;
	v9 =	vadd.s32 v14, v9;
	v13 =	vadd.s32 v15, v13  }
0x6a: {  	v12 =	vadd.s32 v16, v12;
	v14 =	vsel vm0, $0x1, v1;
	v15 =	vsel vm1, $0x1, v1  }
0x6b: {  	v16 =	vsel vm2, $0x1, v1;
	vm0 =	vgt.s32 v8, $0x59;
	vm1 =	vgt.s32 v10, $0x59  }
0x6c: {  	vm2 =	vgt.s32 v11, $0x59;
	v9 =	vadd.s32 v14, v9;
	v13 =	vadd.s32 v15, v13  }
0x6d: {  	v12 =	vadd.s32 v16, v12;
	v14 =	vsel vm0, $0x1, v1;
	v15 =	vsel vm1, $0x1, v1  }
0x6e: {  	v16 =	vsel vm2, $0x1, v1;
	vm0 =	vgt.s32 v8, $0x7F;
	vm1 =	vgt.s32 v10, $0x7F  }
0x6f: {  	vm2 =	vgt.s32 v11, $0x7F;
	v8 =	vadd.s32 v14, v9;
	v9 =	vadd.s32 v15, v13  }
0x70: {  	v10 =	vadd.s32 v16, v12;
	v11 =	vsel vm0, $0x1, v1;
	v12 =	vsel vm1, $0x1, v1  }
0x71: {  	v13 =	vsel vm2, $0x1, v1;
	v8 =	vadd.s32 v11, v8;
	v9 =	vadd.s32 v12, v9  }
.Ltmp0:
0x72: {  	v10 =	vadd.s32 v13, v10;
	v8 =	vand.u32 $0xF, v8;
	v9 =	vand.u32 $0xF, v9;
	(pc) =	sbr.rel @p0 .LBB2_2-.Ltmp0, $4  }
0x73: {  	v10 =	vand.u32 $0xF, v10;
	v11 =	vperm.xlane v2, v8;
	v12 =	vperm.xlane v3, v8  }
0x74: {  	vm1 =	vlt.s32 v1, v6;
	v6 =	vperm.xlane v2, v9;
	v13 =	vperm.xlane v3, v9  }
0x75: {  	vm2 =	vlt.s32 v1, v7;
	v8 =	vperm.xlane v2, v10;
	v9 =	vperm.xlane v3, v10  }
0x76: {  	s15 =	sadd.s32 s14, s5;
	s14 =	sadd.s32 $0x40, s14;
	vm0 =	vlt.s32 v1, v5;
	v5 =	vsel vm1, v12, v11;
	v6 =	vsel vm2, v13, v6  }
0x77: {  	s14 =	sadd.s32 $0x30, s15  }
0x78: {  	v10 =	vmov s15;
	s29 =	sadd.s32 $0x10, s15;
	v8 =	vsel vm0, v9, v8;
	s30 =	sadd.s32 $0x20, s15;
	v7 =	vmov s14  }
0x79: {  	v62 =	vmov s29;
	v63 =	vadd.s32 v10, v4;
	v19 =	vmov s30  }
0x7a: {  	v11 =	vadd.s32 v7, v4;
	v9 =	vadd.s32 v62, v4;
	v28 =	vadd.s32 v19, v4  }
0x7b: {  	v29 =	vsub.s32 $0x0, v63;
	v12 =	vsub.s32 $0x0, v11;
	v26 =	vsub.s32 $0x0, v9  }
0x7c: {  	v30 =	vsub.s32 $0x0, v28;
	vm12 =	vlt.s32 v1, v11;
	v18 =	vmin.u32 v11, v12  }
0x7d: {  	v10 =	vmin.u32 v9, v26;
	v12 =	vmin.u32 v63, v29;
	vm15 =	vlt.s32 v18, $0x7  }
0x7e: {  	vm1 =	vgt.s32 v18, $0xA;
	vm4 =	vgt.s32 v18, $0xE;
	vm5 =	vgt.s32 v18, $0x14  }
0x7f: {  	vm6 =	vgt.s32 v18, $0x1D;
	vm7 =	vgt.s32 v18, $0x2B;
	vm8 =	vgt.s32 v18, $0x3D  }
0x80: {  	vm9 =	vgt.s32 v18, $0x59;
	vm10 =	vgt.s32 v18, $0x7F;
	vm11 =	vlt.s32 v10, $0x7  }
0x81: {  	vm2 =	vgt.s32 v10, $0xA;
	vm14 =	vlt.s32 v12, $0x7;
	v13 =	vnsel vm15, $0x7, v18  }
0x82: {  	v14 =	vsel vm1, $0x1, v1;
	v20 =	vsel vm4, $0x1, v1;
	v21 =	vsel vm5, $0x1, v1  }
0x83: {  	v22 =	vsel vm6, $0x1, v1;
	v23 =	vsel vm7, $0x1, v1;
	v24 =	vsel vm8, $0x1, v1  }
0x84: {  	v25 =	vsel vm9, $0x1, v1;
	v27 =	vsel vm10, $0x1, v1;
	v31 =	vnsel vm11, $0x7, v10  }
0x85: {  	v32 =	vsel vm2, $0x1, v1;
	vm15 =	vgt.s32 v12, $0xA;
	v33 =	vnsel vm14, $0x7, v12  }
0x86: {  	vm4 =	vgt.s32 v10, $0xE;
	vm6 =	vgt.s32 v12, $0xE;
	vm7 =	vgt.s32 v10, $0x14  }
0x87: {  	vm9 =	vgt.s32 v12, $0x14;
	vm10 =	vgt.s32 v10, $0x1D;
	v13 =	vadd.s32 v14, v13  }
0x88: {  	v14 =	vmin.u32 v28, v30;
	v34 =	vsel vm15, $0x1, v1;
	v35 =	vsel vm4, $0x1, v1  }
0x89: {  	v37 =	vsel vm6, $0x1, v1;
	v38 =	vsel vm7, $0x1, v1;
	v40 =	vsel vm9, $0x1, v1  }
0x8a: {  	v41 =	vsel vm10, $0x1, v1;
	vm15 =	vgt.s32 v12, $0x2B;
	vm4 =	vgt.s32 v10, $0x3D  }
0x8b: {  	vm6 =	vgt.s32 v12, $0x3D;
	vm7 =	vgt.s32 v10, $0x59;
	vm10 =	vgt.s32 v12, $0x59  }
0x8c: {  	v13 =	vadd.s32 v20, v13;
	vm3 =	vlt.s32 v14, $0x7;
	vm13 =	vgt.s32 v14, $0xA  }
0x8d: {  	vm5 =	vgt.s32 v14, $0xE;
	vm8 =	vgt.s32 v14, $0x14;
	vm11 =	vgt.s32 v14, $0x1D  }
0x8e: {  	vm14 =	vgt.s32 v14, $0x2B;
	v46 =	vsel vm15, $0x1, v1;
	v47 =	vsel vm4, $0x1, v1  }
0x8f: {  	v49 =	vsel vm6, $0x1, v1;
	v50 =	vsel vm7, $0x1, v1;
	vm9 =	vgt.s32 v14, $0x59  }
0x90: {  	v52 =	vsel vm10, $0x1, v1;
	v13 =	vadd.s32 v21, v13;
	v16 =	vnsel vm3, $0x7, v14  }
0x91: {  	v17 =	vsel vm13, $0x1, v1;
	v36 =	vsel vm5, $0x1, v1;
	v39 =	vsel vm8, $0x1, v1  }
0x92: {  	v42 =	vsel vm11, $0x1, v1;
	vm13 =	vgt.s32 v10, $0x2B;
	v13 =	vadd.s32 v22, v13  }
0x93: {  	v45 =	vsel vm14, $0x1, v1;
	vm5 =	vgt.s32 v14, $0x3D;
	v13 =	vadd.s32 v23, v13  }
0x94: {  	vm8 =	vgt.s32 v10, $0x7F;
	vm11 =	vgt.s32 v14, $0x7F;
	v13 =	vadd.s32 v24, v13  }
0x95: {  	v51 =	vsel vm9, $0x1, v1;
	vm14 =	vlt.s32 v1, v28;
	v13 =	vadd.s32 v25, v13  }
0x96: {  	v16 =	vadd.s32 v17, v16;
	v44 =	vsel vm13, $0x1, v1;
	v13 =	vadd.s32 v27, v13  }
0x97: {  	v48 =	vsel vm5, $0x1, v1;
	v53 =	vsel vm8, $0x1, v1;
	v13 =	vand.u32 $0xF, v13  }
0x98: {  	v16 =	vadd.s32 v36, v16;
	v15 =	vperm.xlane v2, v13;
	v13 =	vperm.xlane v3, v13  }
0x99: {  	v54 =	vsel vm11, $0x1, v1;
	vm13 =	vlt.s32 v1, v9;
	v16 =	vadd.s32 v39, v16  }
0x9a: {  	v16 =	vadd.s32 v42, v16;
	v11 =	vsel vm12, v13, v15;
	v13 =	vadd.s32 v32, v31  }
0x9b: {  	v16 =	vadd.s32 v45, v16;
	v15 =	vadd.s32 v34, v33;
	v13 =	vadd.s32 v35, v13  }
0x9c: {  	vm12 =	vgt.s32 v12, $0x1D;
	v15 =	vadd.s32 v37, v15;
	v13 =	vadd.s32 v38, v13  }
0x9d: {  	v43 =	vsel vm12, $0x1, v1;
	v15 =	vadd.s32 v40, v15;
	v13 =	vadd.s32 v41, v13  }
0x9e: {  	v16 =	vadd.s32 v48, v16;
	v15 =	vadd.s32 v43, v15;
	v13 =	vadd.s32 v44, v13  }
0x9f: {  	vm12 =	vgt.s32 v12, $0x7F;
	v15 =	vadd.s32 v46, v15;
	v13 =	vadd.s32 v47, v13  }
0xa0: {  	v55 =	vsel vm12, $0x1, v1;
	v15 =	vadd.s32 v49, v15;
	v10 =	vadd.s32 v50, v13  }
0xa1: {  	v13 =	vadd.s32 v51, v16;
	v12 =	vadd.s32 v52, v15;
	v10 =	vadd.s32 v53, v10  }
0xa2: {  	[tilespmem:s13+$0xFFFFFFF0] =	vst v5;
	v13 =	vadd.s32 v54, v13;
	v56 =	vadd.s32 v55, v12;
	v10 =	vand.u32 $0xF, v10  }
0xa3: {  	[tilespmem:s13+$0x0] =	vst v6;
	v57 =	vand.u32 $0xF, v13;
	v58 =	vperm.xlane v2, v10;
	v59 =	vperm.xlane v3, v10  }
0xa4: {  	s31 =	sadd.s32 $0x40, s13;
	[tilespmem:s13+$0xFFFFFFE0] =	vst v8;
	v5 =	vand.u32 $0xF, v56;
	v60 =	vperm.xlane v2, v57;
	v61 =	vperm.xlane v3, v57  }
0xa5: {  	[tilespmem:s31+$0x10] =	vst v11;
	v2 =	vperm.xlane v2, v5;
	v3 =	vperm.xlane v3, v5;
	v62 =	vsel vm13, v59, v58  }
0xa6: {  	s12 =	sadd.s32 $0x1, s12;
	vm15 =	vlt.s32 v1, v63;
	v63 =	vsel vm14, v61, v60;
	[tilespmem:s31+$0xFFFFFFF0] =	vst v62  }
0xa7: {  	p0 =	sne.s32 s12, s7;
	v2 =	vsel vm15, v3, v2;
	[tilespmem:s31+$0x0] =	vst v63  }
.Ltmp1:
0xa8: {  	[tilespmem:s31+$0xFFFFFFE0] =	vst v2;
	(pc) =	sbr.rel @p0 .LBB2_1-.Ltmp1, $4  }
0xa9: {  	[hbm4b:s6+s9] =	stream.strided.scatter [tilespmem:s11], [sflag:$0x1], $0x800, s10, s9, $0x38;
	[tilespmem:$0x900] =	vst v63  }
0xaa: {  	_ =	swait.ge [sflag:s8], $0x800  }
0xab: {  	[sflag:s8] =	ssyncset.done $0x0  }
0xac: {  	[sflag:s8] =	ssyncadd.s32 $0xFFFFF800  }
0xad: {  	_ =	sfence.sel $0x180000  }
0xae: {  	[bflag:$0x0] =	sbarrier.arrive $0xFFFF  }
0xaf: {  	p0 =	sne.s32 s1, $0x0;
	_ =	strace $0x90000047  }
0xb0: {  	s0 =	sadd.s32 @!p0 $0x100000, s0;
	[bflag:$0x2] =	sbarrier.arrive $0xFFFF  }
0xb1: {  	[sflag:s0] =	ssyncadd.tile.s32 @!p0 $0x1;
	_ =	shalt  }
.Lfunc_end2:
_tile_overlayer_lowered:
.L_overlay_start_2:
0xb2: {  	(tag) =	ssettag $0x2  }
0xb3: {  	s0 =	rddreg [dreg:$0x0];
	s2 =	stileid.u32  }
0xb4: {  	s1 =	rddreg [dreg:$0x1];
	p0 =	sne.s32 s2, $0x0  }
0xb5: {  	s3 =	rddreg [dreg:$0x2];
	[bflag:$0x3] =	sbarrier.arrive $0xFFFF;
	s2 =	simm.s32 @!p0 $0x1C01  }
0xb6: {  	[timem:s3], [sflag:s2] =	dma.local @!p0 [hbm:s0], s1  }
0xb7: {  	s0 =	simm.s32 @!p0 $0x1  }
0xb8: {  	_ =	swait.ge @!p0 [sflag:s0], s1  }
0xb9: {  	s1 =	ssub.s32 @!p0 $0x0, s1;
	[sflag:s0] =	ssyncset.done @!p0 $0x0  }
0xba: {  	[sflag:s0] =	ssyncadd.s32 @!p0 s1  }
0xbb: {  	[bflag:$0x3] =	sbarrier.arrive $0xFFFF  }
0xbc: {  	_ =	shalt  }

</sc_bundles>
